<compile_context>
chip_gen: v7x
topology: tpu7x:2x2x1
jax: 0.10.2.dev20260603
libtpu: 0.0.44.dev20260713+nightly
codegen_flags: <defaults>
</compile_context>

<pallas_src>
import functools

import jax
import jax.numpy as jnp
from jax import lax
from jax.experimental import pallas as pl
from jax.experimental.pallas import tpu as pltpu
from jax.experimental.pallas import tpu_sc as plsc

TOK_BLOCK = 1024
K_TILE = 2048


def _argmin_body(x_ref, wt_ref, sw_ref, idx_ref, loss_ref,
                 *, n_codes, k_tile, tok_block):
    pid = pl.program_id(0)
    xf = x_ref[...]
    xb = xf.astype(jnp.bfloat16)
    sx = jnp.sum(xf * xf, axis=1, keepdims=True)
    best = jnp.full((tok_block, 1), jnp.inf, jnp.float32)
    best_exact = jnp.full((tok_block, 1), jnp.inf, jnp.float32)
    bidx = jnp.zeros((tok_block, 1), jnp.int32)
    lanes128 = lax.broadcasted_iota(
        jnp.int32, (tok_block, 128), 1).astype(jnp.float32)
    for t in range(n_codes // k_tile):
        wt = wt_ref[:, t * k_tile:(t + 1) * k_tile]
        sw = sw_ref[:, t * k_tile:(t + 1) * k_tile]
        mm = lax.dot_general(xb, wt, (((1,), (0,)), ((), ())),
                             preferred_element_type=jnp.float32)
        d = (sx + mm) + sw
        m = d[:, 0:128]
        vidx = jnp.zeros((tok_block, 128), jnp.float32)
        for v in range(1, k_tile // 128):
            dv = d[:, v * 128:(v + 1) * 128]
            take = dv < m
            m = jnp.minimum(m, dv)
            vidx = jnp.where(take, jnp.float32(v), vidx)
        tmin = jnp.min(m, axis=1, keepdims=True)
        key = vidx * 128.0 + lanes128
        targ = jnp.min(jnp.where(m == tmin, key, jnp.float32(2**30)),
                       axis=1, keepdims=True).astype(jnp.int32) + t * k_tile
        upd = tmin < best
        best = jnp.where(upd, tmin, best)
        best = best.astype(jnp.bfloat16).astype(jnp.float32)
        best_exact = jnp.where(upd, tmin, best_exact)
        bidx = jnp.where(upd, targ, bidx)
    idx_ref[...] = bidx

    @pl.when(pid == 0)
    def _():
        loss_ref[0, 0] = 0.0
    loss_ref[0, 0] += jnp.sum(best_exact)


def _compute_indices(x_flat, wt, sw):
    n, c = x_flat.shape
    n_codes = wt.shape[1]
    return pl.pallas_call(
        functools.partial(_argmin_body, n_codes=n_codes, k_tile=K_TILE,
                          tok_block=TOK_BLOCK),
        grid=(n // TOK_BLOCK,),
        in_specs=[
            pl.BlockSpec((TOK_BLOCK, c), lambda i: (i, 0)),
            pl.BlockSpec((c, n_codes), lambda i: (0, 0)),
            pl.BlockSpec((1, n_codes), lambda i: (0, 0)),
        ],
        out_specs=[
            pl.BlockSpec((TOK_BLOCK, 1), lambda i: (i, 0)),
            pl.BlockSpec(block_shape=(1, 1), index_map=lambda i: (0, 0),
                         memory_space=pltpu.SMEM),
        ],
        out_shape=[
            jax.ShapeDtypeStruct((n, 1), jnp.int32),
            jax.ShapeDtypeStruct((1, 1), jnp.float32),
        ],
    )(x_flat, wt, sw)


def _sc_gather(table, idx):
    n = idx.shape[0]
    d = table.shape[1]
    info = plsc.get_sparse_core_info()
    nc, ns = info.num_cores, info.num_subcores
    nw = nc * ns
    bpw = n // nw
    mesh = plsc.VectorSubcoreMesh(core_axis_name="c", subcore_axis_name="s")

    @functools.partial(
        pl.kernel, mesh=mesh,
        compiler_params=pltpu.CompilerParams(use_tc_tiling_on_sc=False,
                                             skip_device_barrier=True),
        out_type=jax.ShapeDtypeStruct((n, d), jnp.float32),
        scratch_types=[
            pltpu.VMEM((bpw,), jnp.int32),
            pltpu.VMEM((bpw, d), jnp.float32),
            pltpu.SemaphoreType.DMA,
        ],
    )
    def gather_k(table_hbm, idx_hbm, out_hbm, idx_v, rows_v, sem):
        wid = lax.axis_index("s") * nc + lax.axis_index("c")
        base = wid * bpw
        pltpu.sync_copy(idx_hbm.at[pl.ds(base, bpw)], idx_v)
        copies = []
        for j in range(bpw // 128):
            copies.append(pltpu.async_copy(
                table_hbm.at[idx_v.at[pl.ds(j * 128, 128)]],
                rows_v.at[pl.ds(j * 128, 128)], sem))
        for cp in copies:
            cp.wait()
        pltpu.sync_copy(rows_v, out_hbm.at[pl.ds(base, bpw)])

    return gather_k(table, idx)


def kernel(x, embedding_weight):
    b, c, t = x.shape
    n = b * t
    n_codes = embedding_weight.shape[0]
    x_flat = jnp.transpose(x, (0, 2, 1)).reshape(-1, c)
    sw = jnp.sum(embedding_weight ** 2, axis=1).reshape(1, n_codes)
    wt = -2.0 * embedding_weight.T

    idx2, loss_sum = _compute_indices(x_flat, wt, sw)

    indices = idx2.reshape(-1)
    qf = _sc_gather(embedding_weight, indices)
    quantized = jnp.transpose(qf.reshape(b, t, c), (0, 2, 1))
    indices_out = indices.reshape(b, 1, t)
    commitment_loss = loss_sum[0, 0] / (b * c * t)
    return (quantized, indices_out, commitment_loss)

# --- scband reference (transcript-rebuilt; emitter-appended) ---
"""Pipeline reference for scband-vector-quantizer-69913477644917 (READ-ONLY COPY).

The authoritative reference and input builder live on the scoring server;
editing this copy changes nothing except your own understanding.
"""

import jax, jax.numpy as jnp
import numpy as np


def setup_inputs(seed: int = 0) -> dict:
    key = jax.random.key(seed)
    k1, k2 = jax.random.split(key)
    x = jax.random.normal(k1, (4, 32, 2048), dtype=jnp.float32)
    codebook_size, dim = 8192, 32
    embedding_weight = jax.random.uniform(
        k2, (codebook_size, dim), dtype=jnp.float32,
        minval=-1.0 / codebook_size, maxval=1.0 / codebook_size)
    return {"x": x, "embedding_weight": embedding_weight}


def reference(x, embedding_weight):
    b, c, t = x.shape
    x_flat = jnp.transpose(x, (0, 2, 1)).reshape(-1, c)
    W = embedding_weight
    distances = (jnp.sum(x_flat ** 2, axis=1, keepdims=True)
                 - 2.0 * jnp.matmul(x_flat, W.T)
                 + jnp.sum(W ** 2, axis=1))
    indices = jnp.argmin(distances, axis=1)
    quantized_flat = jnp.take(W, indices, axis=0)
    quantized = jnp.transpose(quantized_flat.reshape(b, t, c), (0, 2, 1))
    indices_out = indices.reshape(b, 1, t)
    quantized_out = x + jax.lax.stop_gradient(quantized - x)
    commitment_loss = jnp.mean((jax.lax.stop_gradient(quantized) - x) ** 2)
    return (quantized_out, indices_out, commitment_loss)

if __name__ == "__main__":
    import jax
    _d = setup_inputs()
    print(jax.jit(kernel)(*tuple(_d.values())))

</pallas_src>

<mosaic_0001>
#map = affine_map<(d0, d1) -> (0, 0)>
#map1 = affine_map<(d0, d1) -> (0)>
module attributes {stable_mosaic.version = 14 : i64} {
  func.func @gather_k(%arg0: i32, %arg1: i32, %arg2: memref<8192x32xf32, #tpu.memory_space<hbm>>, %arg3: memref<8192xi32, #tpu.memory_space<hbm>>, %arg4: memref<8192x32xf32, #tpu.memory_space<hbm>>, %arg5: memref<256xi32, #tpu.memory_space<vmem>>, %arg6: memref<256x32xf32, #tpu.memory_space<vmem>>, %arg7: memref<!tpu.dma_semaphore, #tpu.memory_space<semaphore_mem>>) attributes {dimension_semantics = [#tpu.dimension_semantics<core_parallel>, #tpu.dimension_semantics<subcore_parallel>], iteration_bounds = array<i64: 2, 16>, scalar_prefetch = 0 : i64, scratch_operands = 3 : i64, tpu.core_type = #tpu.core_type<sc_vector_subcore>, window_params = [{transform_indices = #map}, {transform_indices = #map1}, {transform_indices = #map}]} {
    %mul3A = arith.constant 2 : i32
    %mul3A_0 = arith.muli %arg1, %mul3A : i32
    %add3A = arith.addi %mul3A_0, %arg0 : i32
    %mul3A_1 = arith.constant 256 : i32
    %mul3A_2 = arith.muli %add3A, %mul3A_1 : i32
    "tpu.region"() ({
      %run_scoped3A = tpu.sem_alloc : memref<!tpu.dma_semaphore, #tpu.memory_space<semaphore_mem>>
      %dma_start3A_33 = tpu.memref_slice %arg3[%mul3A_2] : memref<8192xi32, #tpu.memory_space<hbm>> -> memref<256xi32, #tpu.memory_space<hbm>>
      %dma_start3A_34 = tpu.memref_slice %arg3[%mul3A_2] : memref<8192xi32, #tpu.memory_space<hbm>> -> memref<256xi32, #tpu.memory_space<hbm>>
      tpu.enqueue_dma source(%dma_start3A_34 : memref<256xi32, #tpu.memory_space<hbm>>) target(%arg5 : memref<256xi32, #tpu.memory_space<vmem>>) target_semaphore(%run_scoped3A : memref<!tpu.dma_semaphore, #tpu.memory_space<semaphore_mem>>)
      %dma_wait3A_35 = tpu.memref_slice %arg3[%mul3A_2] : memref<8192xi32, #tpu.memory_space<hbm>> -> memref<256xi32, #tpu.memory_space<hbm>>
      %dma_wait3A_36 = tpu.memref_slice %arg3[%mul3A_2] : memref<8192xi32, #tpu.memory_space<hbm>> -> memref<256xi32, #tpu.memory_space<hbm>>
      tpu.wait_dma2 semaphore(%run_scoped3A : memref<!tpu.dma_semaphore, #tpu.memory_space<semaphore_mem>>) src(%dma_wait3A_36 : memref<256xi32, #tpu.memory_space<hbm>>) dst(%arg5 : memref<256xi32, #tpu.memory_space<vmem>>)
      tpu.yield
    }) : () -> ()
    %dma_start3A = arith.constant 0 : i32
    %dma_start3A_3 = arith.constant 0 : i32
    %dma_start3A_4 = tpu.memref_slice %arg6[%dma_start3A, %dma_start3A_3] : memref<256x32xf32, #tpu.memory_space<vmem>> -> memref<128x32xf32, #tpu.memory_space<vmem>>
    %dma_start3A_5 = arith.constant 0 : i32
    %dma_start3A_6 = tpu.memref_slice %arg5[%dma_start3A_5] : memref<256xi32, #tpu.memory_space<vmem>> -> memref<128xi32, #tpu.memory_space<vmem>>
    %dma_start3A_7 = arith.constant 0 : i32
    %dma_start3A_8 = arith.constant 0 : i32
    %dma_start3A_9 = tpu.memref_slice %arg2[%dma_start3A_7, %dma_start3A_8] : memref<8192x32xf32, #tpu.memory_space<hbm>> -> memref<8192x32xf32, #tpu.memory_space<hbm>>
    tpu.enqueue_indirect_dma source(%dma_start3A_9 : memref<8192x32xf32, #tpu.memory_space<hbm>>) target(%dma_start3A_4 : memref<128x32xf32, #tpu.memory_space<vmem>>) offsets(%dma_start3A_6 : memref<128xi32, #tpu.memory_space<vmem>>) semaphore(%arg7 : memref<!tpu.dma_semaphore, #tpu.memory_space<semaphore_mem>>)
    %dma_start3A_10 = arith.constant 128 : i32
    %dma_start3A_11 = arith.constant 0 : i32
    %dma_start3A_12 = tpu.memref_slice %arg6[%dma_start3A_10, %dma_start3A_11] : memref<256x32xf32, #tpu.memory_space<vmem>> -> memref<128x32xf32, #tpu.memory_space<vmem>>
    %dma_start3A_13 = arith.constant 128 : i32
    %dma_start3A_14 = tpu.memref_slice %arg5[%dma_start3A_13] : memref<256xi32, #tpu.memory_space<vmem>> -> memref<128xi32, #tpu.memory_space<vmem>>
    %dma_start3A_15 = arith.constant 0 : i32
    %dma_start3A_16 = arith.constant 0 : i32
    %dma_start3A_17 = tpu.memref_slice %arg2[%dma_start3A_15, %dma_start3A_16] : memref<8192x32xf32, #tpu.memory_space<hbm>> -> memref<8192x32xf32, #tpu.memory_space<hbm>>
    tpu.enqueue_indirect_dma source(%dma_start3A_17 : memref<8192x32xf32, #tpu.memory_space<hbm>>) target(%dma_start3A_12 : memref<128x32xf32, #tpu.memory_space<vmem>>) offsets(%dma_start3A_14 : memref<128xi32, #tpu.memory_space<vmem>>) semaphore(%arg7 : memref<!tpu.dma_semaphore, #tpu.memory_space<semaphore_mem>>)
    %dma_wait3A = arith.constant 0 : i32
    %dma_wait3A_18 = arith.constant 0 : i32
    %dma_wait3A_19 = tpu.memref_slice %arg6[%dma_wait3A, %dma_wait3A_18] : memref<256x32xf32, #tpu.memory_space<vmem>> -> memref<128x32xf32, #tpu.memory_space<vmem>>
    %dma_wait3A_20 = arith.constant 0 : i32
    %dma_wait3A_21 = tpu.memref_slice %arg5[%dma_wait3A_20] : memref<256xi32, #tpu.memory_space<vmem>> -> memref<128xi32, #tpu.memory_space<vmem>>
    %dma_wait3A_22 = arith.constant 0 : i32
    %dma_wait3A_23 = arith.constant 0 : i32
    %dma_wait3A_24 = tpu.memref_slice %arg2[%dma_wait3A_22, %dma_wait3A_23] : memref<8192x32xf32, #tpu.memory_space<hbm>> -> memref<8192x32xf32, #tpu.memory_space<hbm>>
    tpu.wait_indirect_dma semaphore(%arg7 : memref<!tpu.dma_semaphore, #tpu.memory_space<semaphore_mem>>) src(%dma_wait3A_24 : memref<8192x32xf32, #tpu.memory_space<hbm>>) dst(%dma_wait3A_19 : memref<128x32xf32, #tpu.memory_space<vmem>>)
    %dma_wait3A_25 = arith.constant 128 : i32
    %dma_wait3A_26 = arith.constant 0 : i32
    %dma_wait3A_27 = tpu.memref_slice %arg6[%dma_wait3A_25, %dma_wait3A_26] : memref<256x32xf32, #tpu.memory_space<vmem>> -> memref<128x32xf32, #tpu.memory_space<vmem>>
    %dma_wait3A_28 = arith.constant 128 : i32
    %dma_wait3A_29 = tpu.memref_slice %arg5[%dma_wait3A_28] : memref<256xi32, #tpu.memory_space<vmem>> -> memref<128xi32, #tpu.memory_space<vmem>>
    %dma_wait3A_30 = arith.constant 0 : i32
    %dma_wait3A_31 = arith.constant 0 : i32
    %dma_wait3A_32 = tpu.memref_slice %arg2[%dma_wait3A_30, %dma_wait3A_31] : memref<8192x32xf32, #tpu.memory_space<hbm>> -> memref<8192x32xf32, #tpu.memory_space<hbm>>
    tpu.wait_indirect_dma semaphore(%arg7 : memref<!tpu.dma_semaphore, #tpu.memory_space<semaphore_mem>>) src(%dma_wait3A_32 : memref<8192x32xf32, #tpu.memory_space<hbm>>) dst(%dma_wait3A_27 : memref<128x32xf32, #tpu.memory_space<vmem>>)
    "tpu.region"() ({
      %run_scoped3A = tpu.sem_alloc : memref<!tpu.dma_semaphore, #tpu.memory_space<semaphore_mem>>
      %dma_start3A_33 = arith.constant 0 : i32
      %dma_start3A_34 = tpu.memref_slice %arg4[%mul3A_2, %dma_start3A_33] : memref<8192x32xf32, #tpu.memory_space<hbm>> -> memref<256x32xf32, #tpu.memory_space<hbm>>
      %dma_start3A_35 = arith.constant 0 : i32
      %dma_start3A_36 = tpu.memref_slice %arg4[%mul3A_2, %dma_start3A_35] : memref<8192x32xf32, #tpu.memory_space<hbm>> -> memref<256x32xf32, #tpu.memory_space<hbm>>
      tpu.enqueue_dma source(%arg6 : memref<256x32xf32, #tpu.memory_space<vmem>>) target(%dma_start3A_36 : memref<256x32xf32, #tpu.memory_space<hbm>>) target_semaphore(%run_scoped3A : memref<!tpu.dma_semaphore, #tpu.memory_space<semaphore_mem>>)
      %dma_wait3A_37 = arith.constant 0 : i32
      %dma_wait3A_38 = tpu.memref_slice %arg4[%mul3A_2, %dma_wait3A_37] : memref<8192x32xf32, #tpu.memory_space<hbm>> -> memref<256x32xf32, #tpu.memory_space<hbm>>
      %dma_wait3A_39 = arith.constant 0 : i32
      %dma_wait3A_40 = tpu.memref_slice %arg4[%mul3A_2, %dma_wait3A_39] : memref<8192x32xf32, #tpu.memory_space<hbm>> -> memref<256x32xf32, #tpu.memory_space<hbm>>
      tpu.wait_dma2 semaphore(%run_scoped3A : memref<!tpu.dma_semaphore, #tpu.memory_space<semaphore_mem>>) src(%arg6 : memref<256x32xf32, #tpu.memory_space<vmem>>) dst(%dma_wait3A_40 : memref<256x32xf32, #tpu.memory_space<hbm>>)
      tpu.yield
    }) : () -> ()
    return
  }
}

module attributes {stable_mosaic.version = 14 : i64} {
  func.func @_argmin_body(%arg0: i32, %arg1: memref<1024x32xf32, #tpu.memory_space<vmem>>, %arg2: memref<32x8192xf32, #tpu.memory_space<vmem>>, %arg3: memref<1x8192xf32, #tpu.memory_space<vmem>>, %arg4: memref<1024x1xi32, #tpu.memory_space<vmem>>, %arg5: memref<1x1xf32, #tpu.memory_space<smem>>) attributes {dimension_semantics = [#tpu.dimension_semantics<arbitrary>], iteration_bounds = array<i64: 8>, scalar_prefetch = 0 : i64, scratch_operands = 0 : i64, tpu.core_type = #tpu.core_type<tc>, window_params = [{transform_indices = @transform_0, window_bounds = array<i64: 1024, 32>}, {pipeline_mode = #tpu.pipeline_mode<synchronous>, transform_indices = @transform_1, window_bounds = array<i64: 32, 8192>}, {pipeline_mode = #tpu.pipeline_mode<synchronous>, transform_indices = @transform_2, window_bounds = array<i64: 1, 8192>}, {transform_indices = @transform_3, window_bounds = array<i64: 1024, 1>}, {transform_indices = @transform_4, window_bounds = array<i64: 1, 1>}]} {
    %get3A = arith.constant 0 : index
    %get3A_0 = arith.constant 0 : index
    %get3A_1 = vector.load %arg1[%get3A, %get3A_0] : memref<1024x32xf32, #tpu.memory_space<vmem>>, vector<1024x32xf32>
    %convert_element_type3A = arith.truncf %get3A_1 : vector<1024x32xf32> to vector<1024x32xbf16>
    %mul3A = arith.mulf %get3A_1, %get3A_1 : vector<1024x32xf32>
    %reduce_sum3A = arith.constant dense<0.000000e+00> : vector<1024xf32>
    %reduce_sum3A_2 = vector.multi_reduction <add>, %mul3A, %reduce_sum3A [1] : vector<1024x32xf32> to vector<1024xf32>
    %broadcast_in_dim3A = vector.shape_cast %reduce_sum3A_2 : vector<1024xf32> to vector<1024x1xf32>
    %broadcast_in_dim3A_3 = arith.constant 0x7F800000 : f32
    %broadcast_in_dim3A_4 = vector.broadcast %broadcast_in_dim3A_3 : f32 to vector<1024x1xf32>
    %broadcast_in_dim3A_5 = arith.constant 0x7F800000 : f32
    %broadcast_in_dim3A_6 = vector.broadcast %broadcast_in_dim3A_5 : f32 to vector<1024x1xf32>
    %broadcast_in_dim3A_7 = arith.constant 0 : i32
    %broadcast_in_dim3A_8 = vector.broadcast %broadcast_in_dim3A_7 : i32 to vector<1024x1xi32>
    %iota3A = tpu.iota {dimensions = array<i32: 1>} : vector<1024x128xi32>
    %convert_element_type3A_9 = arith.sitofp %iota3A : vector<1024x128xi32> to vector<1024x128xf32>
    %get3A_10 = arith.constant 0 : index
    %get3A_11 = arith.constant 0 : index
    %get3A_12 = vector.load %arg2[%get3A_10, %get3A_11] : memref<32x8192xf32, #tpu.memory_space<vmem>>, vector<32x2048xf32>
    %get3A_13 = arith.constant 0 : index
    %get3A_14 = arith.constant 0 : index
    %get3A_15 = vector.load %arg3[%get3A_13, %get3A_14] : memref<1x8192xf32, #tpu.memory_space<vmem>>, vector<1x2048xf32>
    %dot_general3A = arith.constant dense<0.000000e+00> : vector<1024x2048xf32>
    %dot_general3A_16 = tpu.matmul %convert_element_type3A, %get3A_12, %dot_general3A {dimension_numbers = #tpu.dot_dimension_numbers<[1], [0], [0], [1], [0, 0, 1, 1], [], []>, transpose_lhs_hint = false} : vector<1024x32xbf16>, vector<32x2048xf32>, vector<1024x2048xf32> -> vector<1024x2048xf32>
    %add3A = vector.broadcast %broadcast_in_dim3A : vector<1024x1xf32> to vector<1024x2048xf32>
    %add3A_17 = arith.addf %add3A, %dot_general3A_16 : vector<1024x2048xf32>
    %add3A_18 = vector.broadcast %get3A_15 : vector<1x2048xf32> to vector<1024x2048xf32>
    %add3A_19 = arith.addf %add3A_17, %add3A_18 : vector<1024x2048xf32>
    %slice3A = vector.extract_strided_slice %add3A_19 {offsets = [0, 0], sizes = [1024, 128], strides = [1, 1]} : vector<1024x2048xf32> to vector<1024x128xf32>
    %broadcast_in_dim3A_20 = arith.constant 0.000000e+00 : f32
    %broadcast_in_dim3A_21 = vector.broadcast %broadcast_in_dim3A_20 : f32 to vector<1024x128xf32>
    %slice3A_22 = vector.extract_strided_slice %add3A_19 {offsets = [0, 128], sizes = [1024, 128], strides = [1, 1]} : vector<1024x2048xf32> to vector<1024x128xf32>
    %lt3A = arith.cmpf olt, %slice3A_22, %slice3A : vector<1024x128xf32>
    %min3A = arith.minimumf %slice3A, %slice3A_22 : vector<1024x128xf32>
    %jit3A = arith.constant 1.000000e+00 : f32
    %broadcast_in_dim3A_23 = vector.broadcast %jit3A : f32 to vector<1024x128xf32>
    %select_n3A = arith.select %lt3A, %broadcast_in_dim3A_23, %broadcast_in_dim3A_21 : vector<1024x128xi1>, vector<1024x128xf32>
    %slice3A_24 = vector.extract_strided_slice %add3A_19 {offsets = [0, 256], sizes = [1024, 128], strides = [1, 1]} : vector<1024x2048xf32> to vector<1024x128xf32>
    %lt3A_25 = arith.cmpf olt, %slice3A_24, %min3A : vector<1024x128xf32>
    %min3A_26 = arith.minimumf %min3A, %slice3A_24 : vector<1024x128xf32>
    %jit3A_27 = arith.constant 2.000000e+00 : f32
    %broadcast_in_dim3A_28 = vector.broadcast %jit3A_27 : f32 to vector<1024x128xf32>
    %select_n3A_29 = arith.select %lt3A_25, %broadcast_in_dim3A_28, %select_n3A : vector<1024x128xi1>, vector<1024x128xf32>
    %slice3A_30 = vector.extract_strided_slice %add3A_19 {offsets = [0, 384], sizes = [1024, 128], strides = [1, 1]} : vector<1024x2048xf32> to vector<1024x128xf32>
    %lt3A_31 = arith.cmpf olt, %slice3A_30, %min3A_26 : vector<1024x128xf32>
    %min3A_32 = arith.minimumf %min3A_26, %slice3A_30 : vector<1024x128xf32>
    %jit3A_33 = arith.constant 3.000000e+00 : f32
    %broadcast_in_dim3A_34 = vector.broadcast %jit3A_33 : f32 to vector<1024x128xf32>
    %select_n3A_35 = arith.select %lt3A_31, %broadcast_in_dim3A_34, %select_n3A_29 : vector<1024x128xi1>, vector<1024x128xf32>
    %slice3A_36 = vector.extract_strided_slice %add3A_19 {offsets = [0, 512], sizes = [1024, 128], strides = [1, 1]} : vector<1024x2048xf32> to vector<1024x128xf32>
    %lt3A_37 = arith.cmpf olt, %slice3A_36, %min3A_32 : vector<1024x128xf32>
    %min3A_38 = arith.minimumf %min3A_32, %slice3A_36 : vector<1024x128xf32>
    %jit3A_39 = arith.constant 4.000000e+00 : f32
    %broadcast_in_dim3A_40 = vector.broadcast %jit3A_39 : f32 to vector<1024x128xf32>
    %select_n3A_41 = arith.select %lt3A_37, %broadcast_in_dim3A_40, %select_n3A_35 : vector<1024x128xi1>, vector<1024x128xf32>
    %slice3A_42 = vector.extract_strided_slice %add3A_19 {offsets = [0, 640], sizes = [1024, 128], strides = [1, 1]} : vector<1024x2048xf32> to vector<1024x128xf32>
    %lt3A_43 = arith.cmpf olt, %slice3A_42, %min3A_38 : vector<1024x128xf32>
    %min3A_44 = arith.minimumf %min3A_38, %slice3A_42 : vector<1024x128xf32>
    %jit3A_45 = arith.constant 5.000000e+00 : f32
    %broadcast_in_dim3A_46 = vector.broadcast %jit3A_45 : f32 to vector<1024x128xf32>
    %select_n3A_47 = arith.select %lt3A_43, %broadcast_in_dim3A_46, %select_n3A_41 : vector<1024x128xi1>, vector<1024x128xf32>
    %slice3A_48 = vector.extract_strided_slice %add3A_19 {offsets = [0, 768], sizes = [1024, 128], strides = [1, 1]} : vector<1024x2048xf32> to vector<1024x128xf32>
    %lt3A_49 = arith.cmpf olt, %slice3A_48, %min3A_44 : vector<1024x128xf32>
    %min3A_50 = arith.minimumf %min3A_44, %slice3A_48 : vector<1024x128xf32>
    %jit3A_51 = arith.constant 6.000000e+00 : f32
    %broadcast_in_dim3A_52 = vector.broadcast %jit3A_51 : f32 to vector<1024x128xf32>
    %select_n3A_53 = arith.select %lt3A_49, %broadcast_in_dim3A_52, %select_n3A_47 : vector<1024x128xi1>, vector<1024x128xf32>
    %slice3A_54 = vector.extract_strided_slice %add3A_19 {offsets = [0, 896], sizes = [1024, 128], strides = [1, 1]} : vector<1024x2048xf32> to vector<1024x128xf32>
    %lt3A_55 = arith.cmpf olt, %slice3A_54, %min3A_50 : vector<1024x128xf32>
    %min3A_56 = arith.minimumf %min3A_50, %slice3A_54 : vector<1024x128xf32>
    %jit3A_57 = arith.constant 7.000000e+00 : f32
    %broadcast_in_dim3A_58 = vector.broadcast %jit3A_57 : f32 to vector<1024x128xf32>
    %select_n3A_59 = arith.select %lt3A_55, %broadcast_in_dim3A_58, %select_n3A_53 : vector<1024x128xi1>, vector<1024x128xf32>
    %slice3A_60 = vector.extract_strided_slice %add3A_19 {offsets = [0, 1024], sizes = [1024, 128], strides = [1, 1]} : vector<1024x2048xf32> to vector<1024x128xf32>
    %lt3A_61 = arith.cmpf olt, %slice3A_60, %min3A_56 : vector<1024x128xf32>
    %min3A_62 = arith.minimumf %min3A_56, %slice3A_60 : vector<1024x128xf32>
    %jit3A_63 = arith.constant 8.000000e+00 : f32
    %broadcast_in_dim3A_64 = vector.broadcast %jit3A_63 : f32 to vector<1024x128xf32>
    %select_n3A_65 = arith.select %lt3A_61, %broadcast_in_dim3A_64, %select_n3A_59 : vector<1024x128xi1>, vector<1024x128xf32>
    %slice3A_66 = vector.extract_strided_slice %add3A_19 {offsets = [0, 1152], sizes = [1024, 128], strides = [1, 1]} : vector<1024x2048xf32> to vector<1024x128xf32>
    %lt3A_67 = arith.cmpf olt, %slice3A_66, %min3A_62 : vector<1024x128xf32>
    %min3A_68 = arith.minimumf %min3A_62, %slice3A_66 : vector<1024x128xf32>
    %jit3A_69 = arith.constant 9.000000e+00 : f32
    %broadcast_in_dim3A_70 = vector.broadcast %jit3A_69 : f32 to vector<1024x128xf32>
    %select_n3A_71 = arith.select %lt3A_67, %broadcast_in_dim3A_70, %select_n3A_65 : vector<1024x128xi1>, vector<1024x128xf32>
    %slice3A_72 = vector.extract_strided_slice %add3A_19 {offsets = [0, 1280], sizes = [1024, 128], strides = [1, 1]} : vector<1024x2048xf32> to vector<1024x128xf32>
    %lt3A_73 = arith.cmpf olt, %slice3A_72, %min3A_68 : vector<1024x128xf32>
    %min3A_74 = arith.minimumf %min3A_68, %slice3A_72 : vector<1024x128xf32>
    %jit3A_75 = arith.constant 1.000000e+01 : f32
    %broadcast_in_dim3A_76 = vector.broadcast %jit3A_75 : f32 to vector<1024x128xf32>
    %select_n3A_77 = arith.select %lt3A_73, %broadcast_in_dim3A_76, %select_n3A_71 : vector<1024x128xi1>, vector<1024x128xf32>
    %slice3A_78 = vector.extract_strided_slice %add3A_19 {offsets = [0, 1408], sizes = [1024, 128], strides = [1, 1]} : vector<1024x2048xf32> to vector<1024x128xf32>
    %lt3A_79 = arith.cmpf olt, %slice3A_78, %min3A_74 : vector<1024x128xf32>
    %min3A_80 = arith.minimumf %min3A_74, %slice3A_78 : vector<1024x128xf32>
    %jit3A_81 = arith.constant 1.100000e+01 : f32
    %broadcast_in_dim3A_82 = vector.broadcast %jit3A_81 : f32 to vector<1024x128xf32>
    %select_n3A_83 = arith.select %lt3A_79, %broadcast_in_dim3A_82, %select_n3A_77 : vector<1024x128xi1>, vector<1024x128xf32>
    %slice3A_84 = vector.extract_strided_slice %add3A_19 {offsets = [0, 1536], sizes = [1024, 128], strides = [1, 1]} : vector<1024x2048xf32> to vector<1024x128xf32>
    %lt3A_85 = arith.cmpf olt, %slice3A_84, %min3A_80 : vector<1024x128xf32>
    %min3A_86 = arith.minimumf %min3A_80, %slice3A_84 : vector<1024x128xf32>
    %jit3A_87 = arith.constant 1.200000e+01 : f32
    %broadcast_in_dim3A_88 = vector.broadcast %jit3A_87 : f32 to vector<1024x128xf32>
    %select_n3A_89 = arith.select %lt3A_85, %broadcast_in_dim3A_88, %select_n3A_83 : vector<1024x128xi1>, vector<1024x128xf32>
    %slice3A_90 = vector.extract_strided_slice %add3A_19 {offsets = [0, 1664], sizes = [1024, 128], strides = [1, 1]} : vector<1024x2048xf32> to vector<1024x128xf32>
    %lt3A_91 = arith.cmpf olt, %slice3A_90, %min3A_86 : vector<1024x128xf32>
    %min3A_92 = arith.minimumf %min3A_86, %slice3A_90 : vector<1024x128xf32>
    %jit3A_93 = arith.constant 1.300000e+01 : f32
    %broadcast_in_dim3A_94 = vector.broadcast %jit3A_93 : f32 to vector<1024x128xf32>
    %select_n3A_95 = arith.select %lt3A_91, %broadcast_in_dim3A_94, %select_n3A_89 : vector<1024x128xi1>, vector<1024x128xf32>
    %slice3A_96 = vector.extract_strided_slice %add3A_19 {offsets = [0, 1792], sizes = [1024, 128], strides = [1, 1]} : vector<1024x2048xf32> to vector<1024x128xf32>
    %lt3A_97 = arith.cmpf olt, %slice3A_96, %min3A_92 : vector<1024x128xf32>
    %min3A_98 = arith.minimumf %min3A_92, %slice3A_96 : vector<1024x128xf32>
    %jit3A_99 = arith.constant 1.400000e+01 : f32
    %broadcast_in_dim3A_100 = vector.broadcast %jit3A_99 : f32 to vector<1024x128xf32>
    %select_n3A_101 = arith.select %lt3A_97, %broadcast_in_dim3A_100, %select_n3A_95 : vector<1024x128xi1>, vector<1024x128xf32>
    %slice3A_102 = vector.extract_strided_slice %add3A_19 {offsets = [0, 1920], sizes = [1024, 128], strides = [1, 1]} : vector<1024x2048xf32> to vector<1024x128xf32>
    %lt3A_103 = arith.cmpf olt, %slice3A_102, %min3A_98 : vector<1024x128xf32>
    %min3A_104 = arith.minimumf %min3A_98, %slice3A_102 : vector<1024x128xf32>
    %jit3A_105 = arith.constant 1.500000e+01 : f32
    %broadcast_in_dim3A_106 = vector.broadcast %jit3A_105 : f32 to vector<1024x128xf32>
    %select_n3A_107 = arith.select %lt3A_103, %broadcast_in_dim3A_106, %select_n3A_101 : vector<1024x128xi1>, vector<1024x128xf32>
    %reduce_min3A = arith.constant dense<0x7F800000> : vector<1024xf32>
    %reduce_min3A_108 = vector.multi_reduction <minimumf>, %min3A_104, %reduce_min3A [1] : vector<1024x128xf32> to vector<1024xf32>
    %broadcast_in_dim3A_109 = vector.shape_cast %reduce_min3A_108 : vector<1024xf32> to vector<1024x1xf32>
    %mul3A_110 = arith.constant 1.280000e+02 : f32
    %mul3A_111 = vector.broadcast %mul3A_110 : f32 to vector<1024x128xf32>
    %mul3A_112 = arith.mulf %select_n3A_107, %mul3A_111 : vector<1024x128xf32>
    %add3A_113 = arith.addf %mul3A_112, %convert_element_type3A_9 : vector<1024x128xf32>
    %eq3A = vector.broadcast %broadcast_in_dim3A_109 : vector<1024x1xf32> to vector<1024x128xf32>
    %eq3A_114 = arith.cmpf oeq, %min3A_104, %eq3A : vector<1024x128xf32>
    %jit3A_115 = arith.constant 1.07374182E+9 : f32
    %broadcast_in_dim3A_116 = vector.broadcast %jit3A_115 : f32 to vector<1024x128xf32>
    %select_n3A_117 = arith.select %eq3A_114, %add3A_113, %broadcast_in_dim3A_116 : vector<1024x128xi1>, vector<1024x128xf32>
    %reduce_min3A_118 = arith.constant dense<0x7F800000> : vector<1024xf32>
    %reduce_min3A_119 = vector.multi_reduction <minimumf>, %select_n3A_117, %reduce_min3A_118 [1] : vector<1024x128xf32> to vector<1024xf32>
    %broadcast_in_dim3A_120 = vector.shape_cast %reduce_min3A_119 : vector<1024xf32> to vector<1024x1xf32>
    %convert_element_type3A_121 = arith.fptosi %broadcast_in_dim3A_120 : vector<1024x1xf32> to vector<1024x1xi32>
    %add3A_122 = arith.constant 0 : i32
    %add3A_123 = vector.broadcast %add3A_122 : i32 to vector<1024x1xi32>
    %add3A_124 = arith.addi %convert_element_type3A_121, %add3A_123 : vector<1024x1xi32>
    %lt3A_125 = arith.cmpf olt, %broadcast_in_dim3A_109, %broadcast_in_dim3A_4 : vector<1024x1xf32>
    %select_n3A_126 = arith.select %lt3A_125, %broadcast_in_dim3A_109, %broadcast_in_dim3A_4 : vector<1024x1xi1>, vector<1024x1xf32>
    %convert_element_type3A_127 = arith.truncf %select_n3A_126 : vector<1024x1xf32> to vector<1024x1xbf16>
    %convert_element_type3A_128 = arith.extf %convert_element_type3A_127 : vector<1024x1xbf16> to vector<1024x1xf32>
    %select_n3A_129 = arith.select %lt3A_125, %broadcast_in_dim3A_109, %broadcast_in_dim3A_6 : vector<1024x1xi1>, vector<1024x1xf32>
    %select_n3A_130 = arith.select %lt3A_125, %add3A_124, %broadcast_in_dim3A_8 : vector<1024x1xi1>, vector<1024x1xi32>
    %get3A_131 = arith.constant 0 : index
    %get3A_132 = arith.constant 2048 : index
    %get3A_133 = vector.load %arg2[%get3A_131, %get3A_132] : memref<32x8192xf32, #tpu.memory_space<vmem>>, vector<32x2048xf32>
    %get3A_134 = arith.constant 0 : index
    %get3A_135 = arith.constant 2048 : index
    %get3A_136 = vector.load %arg3[%get3A_134, %get3A_135] : memref<1x8192xf32, #tpu.memory_space<vmem>>, vector<1x2048xf32>
    %dot_general3A_137 = arith.constant dense<0.000000e+00> : vector<1024x2048xf32>
    %dot_general3A_138 = tpu.matmul %convert_element_type3A, %get3A_133, %dot_general3A_137 {dimension_numbers = #tpu.dot_dimension_numbers<[1], [0], [0], [1], [0, 0, 1, 1], [], []>, transpose_lhs_hint = false} : vector<1024x32xbf16>, vector<32x2048xf32>, vector<1024x2048xf32> -> vector<1024x2048xf32>
    %add3A_139 = vector.broadcast %broadcast_in_dim3A : vector<1024x1xf32> to vector<1024x2048xf32>
    %add3A_140 = arith.addf %add3A_139, %dot_general3A_138 : vector<1024x2048xf32>
    %add3A_141 = vector.broadcast %get3A_136 : vector<1x2048xf32> to vector<1024x2048xf32>
    %add3A_142 = arith.addf %add3A_140, %add3A_141 : vector<1024x2048xf32>
    %slice3A_143 = vector.extract_strided_slice %add3A_142 {offsets = [0, 0], sizes = [1024, 128], strides = [1, 1]} : vector<1024x2048xf32> to vector<1024x128xf32>
    %broadcast_in_dim3A_144 = arith.constant 0.000000e+00 : f32
    %broadcast_in_dim3A_145 = vector.broadcast %broadcast_in_dim3A_144 : f32 to vector<1024x128xf32>
    %slice3A_146 = vector.extract_strided_slice %add3A_142 {offsets = [0, 128], sizes = [1024, 128], strides = [1, 1]} : vector<1024x2048xf32> to vector<1024x128xf32>
    %lt3A_147 = arith.cmpf olt, %slice3A_146, %slice3A_143 : vector<1024x128xf32>
    %min3A_148 = arith.minimumf %slice3A_143, %slice3A_146 : vector<1024x128xf32>
    %jit3A_149 = arith.constant 1.000000e+00 : f32
    %broadcast_in_dim3A_150 = vector.broadcast %jit3A_149 : f32 to vector<1024x128xf32>
    %select_n3A_151 = arith.select %lt3A_147, %broadcast_in_dim3A_150, %broadcast_in_dim3A_145 : vector<1024x128xi1>, vector<1024x128xf32>
    %slice3A_152 = vector.extract_strided_slice %add3A_142 {offsets = [0, 256], sizes = [1024, 128], strides = [1, 1]} : vector<1024x2048xf32> to vector<1024x128xf32>
    %lt3A_153 = arith.cmpf olt, %slice3A_152, %min3A_148 : vector<1024x128xf32>
    %min3A_154 = arith.minimumf %min3A_148, %slice3A_152 : vector<1024x128xf32>
    %jit3A_155 = arith.constant 2.000000e+00 : f32
    %broadcast_in_dim3A_156 = vector.broadcast %jit3A_155 : f32 to vector<1024x128xf32>
    %select_n3A_157 = arith.select %lt3A_153, %broadcast_in_dim3A_156, %select_n3A_151 : vector<1024x128xi1>, vector<1024x128xf32>
    %slice3A_158 = vector.extract_strided_slice %add3A_142 {offsets = [0, 384], sizes = [1024, 128], strides = [1, 1]} : vector<1024x2048xf32> to vector<1024x128xf32>
    %lt3A_159 = arith.cmpf olt, %slice3A_158, %min3A_154 : vector<1024x128xf32>
    %min3A_160 = arith.minimumf %min3A_154, %slice3A_158 : vector<1024x128xf32>
    %jit3A_161 = arith.constant 3.000000e+00 : f32
    %broadcast_in_dim3A_162 = vector.broadcast %jit3A_161 : f32 to vector<1024x128xf32>
    %select_n3A_163 = arith.select %lt3A_159, %broadcast_in_dim3A_162, %select_n3A_157 : vector<1024x128xi1>, vector<1024x128xf32>
    %slice3A_164 = vector.extract_strided_slice %add3A_142 {offsets = [0, 512], sizes = [1024, 128], strides = [1, 1]} : vector<1024x2048xf32> to vector<1024x128xf32>
    %lt3A_165 = arith.cmpf olt, %slice3A_164, %min3A_160 : vector<1024x128xf32>
    %min3A_166 = arith.minimumf %min3A_160, %slice3A_164 : vector<1024x128xf32>
    %jit3A_167 = arith.constant 4.000000e+00 : f32
    %broadcast_in_dim3A_168 = vector.broadcast %jit3A_167 : f32 to vector<1024x128xf32>
    %select_n3A_169 = arith.select %lt3A_165, %broadcast_in_dim3A_168, %select_n3A_163 : vector<1024x128xi1>, vector<1024x128xf32>
    %slice3A_170 = vector.extract_strided_slice %add3A_142 {offsets = [0, 640], sizes = [1024, 128], strides = [1, 1]} : vector<1024x2048xf32> to vector<1024x128xf32>
    %lt3A_171 = arith.cmpf olt, %slice3A_170, %min3A_166 : vector<1024x128xf32>
    %min3A_172 = arith.minimumf %min3A_166, %slice3A_170 : vector<1024x128xf32>
    %jit3A_173 = arith.constant 5.000000e+00 : f32
    %broadcast_in_dim3A_174 = vector.broadcast %jit3A_173 : f32 to vector<1024x128xf32>
    %select_n3A_175 = arith.select %lt3A_171, %broadcast_in_dim3A_174, %select_n3A_169 : vector<1024x128xi1>, vector<1024x128xf32>
    %slice3A_176 = vector.extract_strided_slice %add3A_142 {offsets = [0, 768], sizes = [1024, 128], strides = [1, 1]} : vector<1024x2048xf32> to vector<1024x128xf32>
    %lt3A_177 = arith.cmpf olt, %slice3A_176, %min3A_172 : vector<1024x128xf32>
    %min3A_178 = arith.minimumf %min3A_172, %slice3A_176 : vector<1024x128xf32>
    %jit3A_179 = arith.constant 6.000000e+00 : f32
    %broadcast_in_dim3A_180 = vector.broadcast %jit3A_179 : f32 to vector<1024x128xf32>
    %select_n3A_181 = arith.select %lt3A_177, %broadcast_in_dim3A_180, %select_n3A_175 : vector<1024x128xi1>, vector<1024x128xf32>
    %slice3A_182 = vector.extract_strided_slice %add3A_142 {offsets = [0, 896], sizes = [1024, 128], strides = [1, 1]} : vector<1024x2048xf32> to vector<1024x128xf32>
    %lt3A_183 = arith.cmpf olt, %slice3A_182, %min3A_178 : vector<1024x128xf32>
    %min3A_184 = arith.minimumf %min3A_178, %slice3A_182 : vector<1024x128xf32>
    %jit3A_185 = arith.constant 7.000000e+00 : f32
    %broadcast_in_dim3A_186 = vector.broadcast %jit3A_185 : f32 to vector<1024x128xf32>
    %select_n3A_187 = arith.select %lt3A_183, %broadcast_in_dim3A_186, %select_n3A_181 : vector<1024x128xi1>, vector<1024x128xf32>
    %slice3A_188 = vector.extract_strided_slice %add3A_142 {offsets = [0, 1024], sizes = [1024, 128], strides = [1, 1]} : vector<1024x2048xf32> to vector<1024x128xf32>
    %lt3A_189 = arith.cmpf olt, %slice3A_188, %min3A_184 : vector<1024x128xf32>
    %min3A_190 = arith.minimumf %min3A_184, %slice3A_188 : vector<1024x128xf32>
    %jit3A_191 = arith.constant 8.000000e+00 : f32
    %broadcast_in_dim3A_192 = vector.broadcast %jit3A_191 : f32 to vector<1024x128xf32>
    %select_n3A_193 = arith.select %lt3A_189, %broadcast_in_dim3A_192, %select_n3A_187 : vector<1024x128xi1>, vector<1024x128xf32>
    %slice3A_194 = vector.extract_strided_slice %add3A_142 {offsets = [0, 1152], sizes = [1024, 128], strides = [1, 1]} : vector<1024x2048xf32> to vector<1024x128xf32>
    %lt3A_195 = arith.cmpf olt, %slice3A_194, %min3A_190 : vector<1024x128xf32>
    %min3A_196 = arith.minimumf %min3A_190, %slice3A_194 : vector<1024x128xf32>
    %jit3A_197 = arith.constant 9.000000e+00 : f32
    %broadcast_in_dim3A_198 = vector.broadcast %jit3A_197 : f32 to vector<1024x128xf32>
    %select_n3A_199 = arith.select %lt3A_195, %broadcast_in_dim3A_198, %select_n3A_193 : vector<1024x128xi1>, vector<1024x128xf32>
    %slice3A_200 = vector.extract_strided_slice %add3A_142 {offsets = [0, 1280], sizes = [1024, 128], strides = [1, 1]} : vector<1024x2048xf32> to vector<1024x128xf32>
    %lt3A_201 = arith.cmpf olt, %slice3A_200, %min3A_196 : vector<1024x128xf32>
    %min3A_202 = arith.minimumf %min3A_196, %slice3A_200 : vector<1024x128xf32>
    %jit3A_203 = arith.constant 1.000000e+01 : f32
    %broadcast_in_dim3A_204 = vector.broadcast %jit3A_203 : f32 to vector<1024x128xf32>
    %select_n3A_205 = arith.select %lt3A_201, %broadcast_in_dim3A_204, %select_n3A_199 : vector<1024x128xi1>, vector<1024x128xf32>
    %slice3A_206 = vector.extract_strided_slice %add3A_142 {offsets = [0, 1408], sizes = [1024, 128], strides = [1, 1]} : vector<1024x2048xf32> to vector<1024x128xf32>
    %lt3A_207 = arith.cmpf olt, %slice3A_206, %min3A_202 : vector<1024x128xf32>
    %min3A_208 = arith.minimumf %min3A_202, %slice3A_206 : vector<1024x128xf32>
    %jit3A_209 = arith.constant 1.100000e+01 : f32
    %broadcast_in_dim3A_210 = vector.broadcast %jit3A_209 : f32 to vector<1024x128xf32>
    %select_n3A_211 = arith.select %lt3A_207, %broadcast_in_dim3A_210, %select_n3A_205 : vector<1024x128xi1>, vector<1024x128xf32>
    %slice3A_212 = vector.extract_strided_slice %add3A_142 {offsets = [0, 1536], sizes = [1024, 128], strides = [1, 1]} : vector<1024x2048xf32> to vector<1024x128xf32>
    %lt3A_213 = arith.cmpf olt, %slice3A_212, %min3A_208 : vector<1024x128xf32>
    %min3A_214 = arith.minimumf %min3A_208, %slice3A_212 : vector<1024x128xf32>
    %jit3A_215 = arith.constant 1.200000e+01 : f32
    %broadcast_in_dim3A_216 = vector.broadcast %jit3A_215 : f32 to vector<1024x128xf32>
    %select_n3A_217 = arith.select %lt3A_213, %broadcast_in_dim3A_216, %select_n3A_211 : vector<1024x128xi1>, vector<1024x128xf32>
    %slice3A_218 = vector.extract_strided_slice %add3A_142 {offsets = [0, 1664], sizes = [1024, 128], strides = [1, 1]} : vector<1024x2048xf32> to vector<1024x128xf32>
    %lt3A_219 = arith.cmpf olt, %slice3A_218, %min3A_214 : vector<1024x128xf32>
    %min3A_220 = arith.minimumf %min3A_214, %slice3A_218 : vector<1024x128xf32>
    %jit3A_221 = arith.constant 1.300000e+01 : f32
    %broadcast_in_dim3A_222 = vector.broadcast %jit3A_221 : f32 to vector<1024x128xf32>
    %select_n3A_223 = arith.select %lt3A_219, %broadcast_in_dim3A_222, %select_n3A_217 : vector<1024x128xi1>, vector<1024x128xf32>
    %slice3A_224 = vector.extract_strided_slice %add3A_142 {offsets = [0, 1792], sizes = [1024, 128], strides = [1, 1]} : vector<1024x2048xf32> to vector<1024x128xf32>
    %lt3A_225 = arith.cmpf olt, %slice3A_224, %min3A_220 : vector<1024x128xf32>
    %min3A_226 = arith.minimumf %min3A_220, %slice3A_224 : vector<1024x128xf32>
    %jit3A_227 = arith.constant 1.400000e+01 : f32
    %broadcast_in_dim3A_228 = vector.broadcast %jit3A_227 : f32 to vector<1024x128xf32>
    %select_n3A_229 = arith.select %lt3A_225, %broadcast_in_dim3A_228, %select_n3A_223 : vector<1024x128xi1>, vector<1024x128xf32>
    %slice3A_230 = vector.extract_strided_slice %add3A_142 {offsets = [0, 1920], sizes = [1024, 128], strides = [1, 1]} : vector<1024x2048xf32> to vector<1024x128xf32>
    %lt3A_231 = arith.cmpf olt, %slice3A_230, %min3A_226 : vector<1024x128xf32>
    %min3A_232 = arith.minimumf %min3A_226, %slice3A_230 : vector<1024x128xf32>
    %jit3A_233 = arith.constant 1.500000e+01 : f32
    %broadcast_in_dim3A_234 = vector.broadcast %jit3A_233 : f32 to vector<1024x128xf32>
    %select_n3A_235 = arith.select %lt3A_231, %broadcast_in_dim3A_234, %select_n3A_229 : vector<1024x128xi1>, vector<1024x128xf32>
    %reduce_min3A_236 = arith.constant dense<0x7F800000> : vector<1024xf32>
    %reduce_min3A_237 = vector.multi_reduction <minimumf>, %min3A_232, %reduce_min3A_236 [1] : vector<1024x128xf32> to vector<1024xf32>
    %broadcast_in_dim3A_238 = vector.shape_cast %reduce_min3A_237 : vector<1024xf32> to vector<1024x1xf32>
    %mul3A_239 = arith.constant 1.280000e+02 : f32
    %mul3A_240 = vector.broadcast %mul3A_239 : f32 to vector<1024x128xf32>
    %mul3A_241 = arith.mulf %select_n3A_235, %mul3A_240 : vector<1024x128xf32>
    %add3A_242 = arith.addf %mul3A_241, %convert_element_type3A_9 : vector<1024x128xf32>
    %eq3A_243 = vector.broadcast %broadcast_in_dim3A_238 : vector<1024x1xf32> to vector<1024x128xf32>
    %eq3A_244 = arith.cmpf oeq, %min3A_232, %eq3A_243 : vector<1024x128xf32>
    %jit3A_245 = arith.constant 1.07374182E+9 : f32
    %broadcast_in_dim3A_246 = vector.broadcast %jit3A_245 : f32 to vector<1024x128xf32>
    %select_n3A_247 = arith.select %eq3A_244, %add3A_242, %broadcast_in_dim3A_246 : vector<1024x128xi1>, vector<1024x128xf32>
    %reduce_min3A_248 = arith.constant dense<0x7F800000> : vector<1024xf32>
    %reduce_min3A_249 = vector.multi_reduction <minimumf>, %select_n3A_247, %reduce_min3A_248 [1] : vector<1024x128xf32> to vector<1024xf32>
    %broadcast_in_dim3A_250 = vector.shape_cast %reduce_min3A_249 : vector<1024xf32> to vector<1024x1xf32>
    %convert_element_type3A_251 = arith.fptosi %broadcast_in_dim3A_250 : vector<1024x1xf32> to vector<1024x1xi32>
    %add3A_252 = arith.constant 2048 : i32
    %add3A_253 = vector.broadcast %add3A_252 : i32 to vector<1024x1xi32>
    %add3A_254 = arith.addi %convert_element_type3A_251, %add3A_253 : vector<1024x1xi32>
    %lt3A_255 = arith.cmpf olt, %broadcast_in_dim3A_238, %convert_element_type3A_128 : vector<1024x1xf32>
    %select_n3A_256 = arith.select %lt3A_255, %broadcast_in_dim3A_238, %convert_element_type3A_128 : vector<1024x1xi1>, vector<1024x1xf32>
    %convert_element_type3A_257 = arith.truncf %select_n3A_256 : vector<1024x1xf32> to vector<1024x1xbf16>
    %convert_element_type3A_258 = arith.extf %convert_element_type3A_257 : vector<1024x1xbf16> to vector<1024x1xf32>
    %select_n3A_259 = arith.select %lt3A_255, %broadcast_in_dim3A_238, %select_n3A_129 : vector<1024x1xi1>, vector<1024x1xf32>
    %select_n3A_260 = arith.select %lt3A_255, %add3A_254, %select_n3A_130 : vector<1024x1xi1>, vector<1024x1xi32>
    %get3A_261 = arith.constant 0 : index
    %get3A_262 = arith.constant 4096 : index
    %get3A_263 = vector.load %arg2[%get3A_261, %get3A_262] : memref<32x8192xf32, #tpu.memory_space<vmem>>, vector<32x2048xf32>
    %get3A_264 = arith.constant 0 : index
    %get3A_265 = arith.constant 4096 : index
    %get3A_266 = vector.load %arg3[%get3A_264, %get3A_265] : memref<1x8192xf32, #tpu.memory_space<vmem>>, vector<1x2048xf32>
    %dot_general3A_267 = arith.constant dense<0.000000e+00> : vector<1024x2048xf32>
    %dot_general3A_268 = tpu.matmul %convert_element_type3A, %get3A_263, %dot_general3A_267 {dimension_numbers = #tpu.dot_dimension_numbers<[1], [0], [0], [1], [0, 0, 1, 1], [], []>, transpose_lhs_hint = false} : vector<1024x32xbf16>, vector<32x2048xf32>, vector<1024x2048xf32> -> vector<1024x2048xf32>
    %add3A_269 = vector.broadcast %broadcast_in_dim3A : vector<1024x1xf32> to vector<1024x2048xf32>
    %add3A_270 = arith.addf %add3A_269, %dot_general3A_268 : vector<1024x2048xf32>
    %add3A_271 = vector.broadcast %get3A_266 : vector<1x2048xf32> to vector<1024x2048xf32>
    %add3A_272 = arith.addf %add3A_270, %add3A_271 : vector<1024x2048xf32>
    %slice3A_273 = vector.extract_strided_slice %add3A_272 {offsets = [0, 0], sizes = [1024, 128], strides = [1, 1]} : vector<1024x2048xf32> to vector<1024x128xf32>
    %broadcast_in_dim3A_274 = arith.constant 0.000000e+00 : f32
    %broadcast_in_dim3A_275 = vector.broadcast %broadcast_in_dim3A_274 : f32 to vector<1024x128xf32>
    %slice3A_276 = vector.extract_strided_slice %add3A_272 {offsets = [0, 128], sizes = [1024, 128], strides = [1, 1]} : vector<1024x2048xf32> to vector<1024x128xf32>
    %lt3A_277 = arith.cmpf olt, %slice3A_276, %slice3A_273 : vector<1024x128xf32>
    %min3A_278 = arith.minimumf %slice3A_273, %slice3A_276 : vector<1024x128xf32>
    %jit3A_279 = arith.constant 1.000000e+00 : f32
    %broadcast_in_dim3A_280 = vector.broadcast %jit3A_279 : f32 to vector<1024x128xf32>
    %select_n3A_281 = arith.select %lt3A_277, %broadcast_in_dim3A_280, %broadcast_in_dim3A_275 : vector<1024x128xi1>, vector<1024x128xf32>
    %slice3A_282 = vector.extract_strided_slice %add3A_272 {offsets = [0, 256], sizes = [1024, 128], strides = [1, 1]} : vector<1024x2048xf32> to vector<1024x128xf32>
    %lt3A_283 = arith.cmpf olt, %slice3A_282, %min3A_278 : vector<1024x128xf32>
    %min3A_284 = arith.minimumf %min3A_278, %slice3A_282 : vector<1024x128xf32>
    %jit3A_285 = arith.constant 2.000000e+00 : f32
    %broadcast_in_dim3A_286 = vector.broadcast %jit3A_285 : f32 to vector<1024x128xf32>
    %select_n3A_287 = arith.select %lt3A_283, %broadcast_in_dim3A_286, %select_n3A_281 : vector<1024x128xi1>, vector<1024x128xf32>
    %slice3A_288 = vector.extract_strided_slice %add3A_272 {offsets = [0, 384], sizes = [1024, 128], strides = [1, 1]} : vector<1024x2048xf32> to vector<1024x128xf32>
    %lt3A_289 = arith.cmpf olt, %slice3A_288, %min3A_284 : vector<1024x128xf32>
    %min3A_290 = arith.minimumf %min3A_284, %slice3A_288 : vector<1024x128xf32>
    %jit3A_291 = arith.constant 3.000000e+00 : f32
    %broadcast_in_dim3A_292 = vector.broadcast %jit3A_291 : f32 to vector<1024x128xf32>
    %select_n3A_293 = arith.select %lt3A_289, %broadcast_in_dim3A_292, %select_n3A_287 : vector<1024x128xi1>, vector<1024x128xf32>
    %slice3A_294 = vector.extract_strided_slice %add3A_272 {offsets = [0, 512], sizes = [1024, 128], strides = [1, 1]} : vector<1024x2048xf32> to vector<1024x128xf32>
    %lt3A_295 = arith.cmpf olt, %slice3A_294, %min3A_290 : vector<1024x128xf32>
    %min3A_296 = arith.minimumf %min3A_290, %slice3A_294 : vector<1024x128xf32>
    %jit3A_297 = arith.constant 4.000000e+00 : f32
    %broadcast_in_dim3A_298 = vector.broadcast %jit3A_297 : f32 to vector<1024x128xf32>
    %select_n3A_299 = arith.select %lt3A_295, %broadcast_in_dim3A_298, %select_n3A_293 : vector<1024x128xi1>, vector<1024x128xf32>
    %slice3A_300 = vector.extract_strided_slice %add3A_272 {offsets = [0, 640], sizes = [1024, 128], strides = [1, 1]} : vector<1024x2048xf32> to vector<1024x128xf32>
    %lt3A_301 = arith.cmpf olt, %slice3A_300, %min3A_296 : vector<1024x128xf32>
    %min3A_302 = arith.minimumf %min3A_296, %slice3A_300 : vector<1024x128xf32>
    %jit3A_303 = arith.constant 5.000000e+00 : f32
    %broadcast_in_dim3A_304 = vector.broadcast %jit3A_303 : f32 to vector<1024x128xf32>
    %select_n3A_305 = arith.select %lt3A_301, %broadcast_in_dim3A_304, %select_n3A_299 : vector<1024x128xi1>, vector<1024x128xf32>
    %slice3A_306 = vector.extract_strided_slice %add3A_272 {offsets = [0, 768], sizes = [1024, 128], strides = [1, 1]} : vector<1024x2048xf32> to vector<1024x128xf32>
    %lt3A_307 = arith.cmpf olt, %slice3A_306, %min3A_302 : vector<1024x128xf32>
    %min3A_308 = arith.minimumf %min3A_302, %slice3A_306 : vector<1024x128xf32>
    %jit3A_309 = arith.constant 6.000000e+00 : f32
    %broadcast_in_dim3A_310 = vector.broadcast %jit3A_309 : f32 to vector<1024x128xf32>
    %select_n3A_311 = arith.select %lt3A_307, %broadcast_in_dim3A_310, %select_n3A_305 : vector<1024x128xi1>, vector<1024x128xf32>
    %slice3A_312 = vector.extract_strided_slice %add3A_272 {offsets = [0, 896], sizes = [1024, 128], strides = [1, 1]} : vector<1024x2048xf32> to vector<1024x128xf32>
    %lt3A_313 = arith.cmpf olt, %slice3A_312, %min3A_308 : vector<1024x128xf32>
    %min3A_314 = arith.minimumf %min3A_308, %slice3A_312 : vector<1024x128xf32>
    %jit3A_315 = arith.constant 7.000000e+00 : f32
    %broadcast_in_dim3A_316 = vector.broadcast %jit3A_315 : f32 to vector<1024x128xf32>
    %select_n3A_317 = arith.select %lt3A_313, %broadcast_in_dim3A_316, %select_n3A_311 : vector<1024x128xi1>, vector<1024x128xf32>
    %slice3A_318 = vector.extract_strided_slice %add3A_272 {offsets = [0, 1024], sizes = [1024, 128], strides = [1, 1]} : vector<1024x2048xf32> to vector<1024x128xf32>
    %lt3A_319 = arith.cmpf olt, %slice3A_318, %min3A_314 : vector<1024x128xf32>
    %min3A_320 = arith.minimumf %min3A_314, %slice3A_318 : vector<1024x128xf32>
    %jit3A_321 = arith.constant 8.000000e+00 : f32
    %broadcast_in_dim3A_322 = vector.broadcast %jit3A_321 : f32 to vector<1024x128xf32>
    %select_n3A_323 = arith.select %lt3A_319, %broadcast_in_dim3A_322, %select_n3A_317 : vector<1024x128xi1>, vector<1024x128xf32>
    %slice3A_324 = vector.extract_strided_slice %add3A_272 {offsets = [0, 1152], sizes = [1024, 128], strides = [1, 1]} : vector<1024x2048xf32> to vector<1024x128xf32>
    %lt3A_325 = arith.cmpf olt, %slice3A_324, %min3A_320 : vector<1024x128xf32>
    %min3A_326 = arith.minimumf %min3A_320, %slice3A_324 : vector<1024x128xf32>
    %jit3A_327 = arith.constant 9.000000e+00 : f32
    %broadcast_in_dim3A_328 = vector.broadcast %jit3A_327 : f32 to vector<1024x128xf32>
    %select_n3A_329 = arith.select %lt3A_325, %broadcast_in_dim3A_328, %select_n3A_323 : vector<1024x128xi1>, vector<1024x128xf32>
    %slice3A_330 = vector.extract_strided_slice %add3A_272 {offsets = [0, 1280], sizes = [1024, 128], strides = [1, 1]} : vector<1024x2048xf32> to vector<1024x128xf32>
    %lt3A_331 = arith.cmpf olt, %slice3A_330, %min3A_326 : vector<1024x128xf32>
    %min3A_332 = arith.minimumf %min3A_326, %slice3A_330 : vector<1024x128xf32>
    %jit3A_333 = arith.constant 1.000000e+01 : f32
    %broadcast_in_dim3A_334 = vector.broadcast %jit3A_333 : f32 to vector<1024x128xf32>
    %select_n3A_335 = arith.select %lt3A_331, %broadcast_in_dim3A_334, %select_n3A_329 : vector<1024x128xi1>, vector<1024x128xf32>
    %slice3A_336 = vector.extract_strided_slice %add3A_272 {offsets = [0, 1408], sizes = [1024, 128], strides = [1, 1]} : vector<1024x2048xf32> to vector<1024x128xf32>
    %lt3A_337 = arith.cmpf olt, %slice3A_336, %min3A_332 : vector<1024x128xf32>
    %min3A_338 = arith.minimumf %min3A_332, %slice3A_336 : vector<1024x128xf32>
    %jit3A_339 = arith.constant 1.100000e+01 : f32
    %broadcast_in_dim3A_340 = vector.broadcast %jit3A_339 : f32 to vector<1024x128xf32>
    %select_n3A_341 = arith.select %lt3A_337, %broadcast_in_dim3A_340, %select_n3A_335 : vector<1024x128xi1>, vector<1024x128xf32>
    %slice3A_342 = vector.extract_strided_slice %add3A_272 {offsets = [0, 1536], sizes = [1024, 128], strides = [1, 1]} : vector<1024x2048xf32> to vector<1024x128xf32>
    %lt3A_343 = arith.cmpf olt, %slice3A_342, %min3A_338 : vector<1024x128xf32>
    %min3A_344 = arith.minimumf %min3A_338, %slice3A_342 : vector<1024x128xf32>
    %jit3A_345 = arith.constant 1.200000e+01 : f32
    %broadcast_in_dim3A_346 = vector.broadcast %jit3A_345 : f32 to vector<1024x128xf32>
    %select_n3A_347 = arith.select %lt3A_343, %broadcast_in_dim3A_346, %select_n3A_341 : vector<1024x128xi1>, vector<1024x128xf32>
    %slice3A_348 = vector.extract_strided_slice %add3A_272 {offsets = [0, 1664], sizes = [1024, 128], strides = [1, 1]} : vector<1024x2048xf32> to vector<1024x128xf32>
    %lt3A_349 = arith.cmpf olt, %slice3A_348, %min3A_344 : vector<1024x128xf32>
    %min3A_350 = arith.minimumf %min3A_344, %slice3A_348 : vector<1024x128xf32>
    %jit3A_351 = arith.constant 1.300000e+01 : f32
    %broadcast_in_dim3A_352 = vector.broadcast %jit3A_351 : f32 to vector<1024x128xf32>
    %select_n3A_353 = arith.select %lt3A_349, %broadcast_in_dim3A_352, %select_n3A_347 : vector<1024x128xi1>, vector<1024x128xf32>
    %slice3A_354 = vector.extract_strided_slice %add3A_272 {offsets = [0, 1792], sizes = [1024, 128], strides = [1, 1]} : vector<1024x2048xf32> to vector<1024x128xf32>
    %lt3A_355 = arith.cmpf olt, %slice3A_354, %min3A_350 : vector<1024x128xf32>
    %min3A_356 = arith.minimumf %min3A_350, %slice3A_354 : vector<1024x128xf32>
    %jit3A_357 = arith.constant 1.400000e+01 : f32
    %broadcast_in_dim3A_358 = vector.broadcast %jit3A_357 : f32 to vector<1024x128xf32>
    %select_n3A_359 = arith.select %lt3A_355, %broadcast_in_dim3A_358, %select_n3A_353 : vector<1024x128xi1>, vector<1024x128xf32>
    %slice3A_360 = vector.extract_strided_slice %add3A_272 {offsets = [0, 1920], sizes = [1024, 128], strides = [1, 1]} : vector<1024x2048xf32> to vector<1024x128xf32>
    %lt3A_361 = arith.cmpf olt, %slice3A_360, %min3A_356 : vector<1024x128xf32>
    %min3A_362 = arith.minimumf %min3A_356, %slice3A_360 : vector<1024x128xf32>
    %jit3A_363 = arith.constant 1.500000e+01 : f32
    %broadcast_in_dim3A_364 = vector.broadcast %jit3A_363 : f32 to vector<1024x128xf32>
    %select_n3A_365 = arith.select %lt3A_361, %broadcast_in_dim3A_364, %select_n3A_359 : vector<1024x128xi1>, vector<1024x128xf32>
    %reduce_min3A_366 = arith.constant dense<0x7F800000> : vector<1024xf32>
    %reduce_min3A_367 = vector.multi_reduction <minimumf>, %min3A_362, %reduce_min3A_366 [1] : vector<1024x128xf32> to vector<1024xf32>
    %broadcast_in_dim3A_368 = vector.shape_cast %reduce_min3A_367 : vector<1024xf32> to vector<1024x1xf32>
    %mul3A_369 = arith.constant 1.280000e+02 : f32
    %mul3A_370 = vector.broadcast %mul3A_369 : f32 to vector<1024x128xf32>
    %mul3A_371 = arith.mulf %select_n3A_365, %mul3A_370 : vector<1024x128xf32>
    %add3A_372 = arith.addf %mul3A_371, %convert_element_type3A_9 : vector<1024x128xf32>
    %eq3A_373 = vector.broadcast %broadcast_in_dim3A_368 : vector<1024x1xf32> to vector<1024x128xf32>
    %eq3A_374 = arith.cmpf oeq, %min3A_362, %eq3A_373 : vector<1024x128xf32>
    %jit3A_375 = arith.constant 1.07374182E+9 : f32
    %broadcast_in_dim3A_376 = vector.broadcast %jit3A_375 : f32 to vector<1024x128xf32>
    %select_n3A_377 = arith.select %eq3A_374, %add3A_372, %broadcast_in_dim3A_376 : vector<1024x128xi1>, vector<1024x128xf32>
    %reduce_min3A_378 = arith.constant dense<0x7F800000> : vector<1024xf32>
    %reduce_min3A_379 = vector.multi_reduction <minimumf>, %select_n3A_377, %reduce_min3A_378 [1] : vector<1024x128xf32> to vector<1024xf32>
    %broadcast_in_dim3A_380 = vector.shape_cast %reduce_min3A_379 : vector<1024xf32> to vector<1024x1xf32>
    %convert_element_type3A_381 = arith.fptosi %broadcast_in_dim3A_380 : vector<1024x1xf32> to vector<1024x1xi32>
    %add3A_382 = arith.constant 4096 : i32
    %add3A_383 = vector.broadcast %add3A_382 : i32 to vector<1024x1xi32>
    %add3A_384 = arith.addi %convert_element_type3A_381, %add3A_383 : vector<1024x1xi32>
    %lt3A_385 = arith.cmpf olt, %broadcast_in_dim3A_368, %convert_element_type3A_258 : vector<1024x1xf32>
    %select_n3A_386 = arith.select %lt3A_385, %broadcast_in_dim3A_368, %convert_element_type3A_258 : vector<1024x1xi1>, vector<1024x1xf32>
    %convert_element_type3A_387 = arith.truncf %select_n3A_386 : vector<1024x1xf32> to vector<1024x1xbf16>
    %convert_element_type3A_388 = arith.extf %convert_element_type3A_387 : vector<1024x1xbf16> to vector<1024x1xf32>
    %select_n3A_389 = arith.select %lt3A_385, %broadcast_in_dim3A_368, %select_n3A_259 : vector<1024x1xi1>, vector<1024x1xf32>
    %select_n3A_390 = arith.select %lt3A_385, %add3A_384, %select_n3A_260 : vector<1024x1xi1>, vector<1024x1xi32>
    %get3A_391 = arith.constant 0 : index
    %get3A_392 = arith.constant 6144 : index
    %get3A_393 = vector.load %arg2[%get3A_391, %get3A_392] : memref<32x8192xf32, #tpu.memory_space<vmem>>, vector<32x2048xf32>
    %get3A_394 = arith.constant 0 : index
    %get3A_395 = arith.constant 6144 : index
    %get3A_396 = vector.load %arg3[%get3A_394, %get3A_395] : memref<1x8192xf32, #tpu.memory_space<vmem>>, vector<1x2048xf32>
    %dot_general3A_397 = arith.constant dense<0.000000e+00> : vector<1024x2048xf32>
    %dot_general3A_398 = tpu.matmul %convert_element_type3A, %get3A_393, %dot_general3A_397 {dimension_numbers = #tpu.dot_dimension_numbers<[1], [0], [0], [1], [0, 0, 1, 1], [], []>, transpose_lhs_hint = false} : vector<1024x32xbf16>, vector<32x2048xf32>, vector<1024x2048xf32> -> vector<1024x2048xf32>
    %add3A_399 = vector.broadcast %broadcast_in_dim3A : vector<1024x1xf32> to vector<1024x2048xf32>
    %add3A_400 = arith.addf %add3A_399, %dot_general3A_398 : vector<1024x2048xf32>
    %add3A_401 = vector.broadcast %get3A_396 : vector<1x2048xf32> to vector<1024x2048xf32>
    %add3A_402 = arith.addf %add3A_400, %add3A_401 : vector<1024x2048xf32>
    %slice3A_403 = vector.extract_strided_slice %add3A_402 {offsets = [0, 0], sizes = [1024, 128], strides = [1, 1]} : vector<1024x2048xf32> to vector<1024x128xf32>
    %broadcast_in_dim3A_404 = arith.constant 0.000000e+00 : f32
    %broadcast_in_dim3A_405 = vector.broadcast %broadcast_in_dim3A_404 : f32 to vector<1024x128xf32>
    %slice3A_406 = vector.extract_strided_slice %add3A_402 {offsets = [0, 128], sizes = [1024, 128], strides = [1, 1]} : vector<1024x2048xf32> to vector<1024x128xf32>
    %lt3A_407 = arith.cmpf olt, %slice3A_406, %slice3A_403 : vector<1024x128xf32>
    %min3A_408 = arith.minimumf %slice3A_403, %slice3A_406 : vector<1024x128xf32>
    %jit3A_409 = arith.constant 1.000000e+00 : f32
    %broadcast_in_dim3A_410 = vector.broadcast %jit3A_409 : f32 to vector<1024x128xf32>
    %select_n3A_411 = arith.select %lt3A_407, %broadcast_in_dim3A_410, %broadcast_in_dim3A_405 : vector<1024x128xi1>, vector<1024x128xf32>
    %slice3A_412 = vector.extract_strided_slice %add3A_402 {offsets = [0, 256], sizes = [1024, 128], strides = [1, 1]} : vector<1024x2048xf32> to vector<1024x128xf32>
    %lt3A_413 = arith.cmpf olt, %slice3A_412, %min3A_408 : vector<1024x128xf32>
    %min3A_414 = arith.minimumf %min3A_408, %slice3A_412 : vector<1024x128xf32>
    %jit3A_415 = arith.constant 2.000000e+00 : f32
    %broadcast_in_dim3A_416 = vector.broadcast %jit3A_415 : f32 to vector<1024x128xf32>
    %select_n3A_417 = arith.select %lt3A_413, %broadcast_in_dim3A_416, %select_n3A_411 : vector<1024x128xi1>, vector<1024x128xf32>
    %slice3A_418 = vector.extract_strided_slice %add3A_402 {offsets = [0, 384], sizes = [1024, 128], strides = [1, 1]} : vector<1024x2048xf32> to vector<1024x128xf32>
    %lt3A_419 = arith.cmpf olt, %slice3A_418, %min3A_414 : vector<1024x128xf32>
    %min3A_420 = arith.minimumf %min3A_414, %slice3A_418 : vector<1024x128xf32>
    %jit3A_421 = arith.constant 3.000000e+00 : f32
    %broadcast_in_dim3A_422 = vector.broadcast %jit3A_421 : f32 to vector<1024x128xf32>
    %select_n3A_423 = arith.select %lt3A_419, %broadcast_in_dim3A_422, %select_n3A_417 : vector<1024x128xi1>, vector<1024x128xf32>
    %slice3A_424 = vector.extract_strided_slice %add3A_402 {offsets = [0, 512], sizes = [1024, 128], strides = [1, 1]} : vector<1024x2048xf32> to vector<1024x128xf32>
    %lt3A_425 = arith.cmpf olt, %slice3A_424, %min3A_420 : vector<1024x128xf32>
    %min3A_426 = arith.minimumf %min3A_420, %slice3A_424 : vector<1024x128xf32>
    %jit3A_427 = arith.constant 4.000000e+00 : f32
    %broadcast_in_dim3A_428 = vector.broadcast %jit3A_427 : f32 to vector<1024x128xf32>
    %select_n3A_429 = arith.select %lt3A_425, %broadcast_in_dim3A_428, %select_n3A_423 : vector<1024x128xi1>, vector<1024x128xf32>
    %slice3A_430 = vector.extract_strided_slice %add3A_402 {offsets = [0, 640], sizes = [1024, 128], strides = [1, 1]} : vector<1024x2048xf32> to vector<1024x128xf32>
    %lt3A_431 = arith.cmpf olt, %slice3A_430, %min3A_426 : vector<1024x128xf32>
    %min3A_432 = arith.minimumf %min3A_426, %slice3A_430 : vector<1024x128xf32>
    %jit3A_433 = arith.constant 5.000000e+00 : f32
    %broadcast_in_dim3A_434 = vector.broadcast %jit3A_433 : f32 to vector<1024x128xf32>
    %select_n3A_435 = arith.select %lt3A_431, %broadcast_in_dim3A_434, %select_n3A_429 : vector<1024x128xi1>, vector<1024x128xf32>
    %slice3A_436 = vector.extract_strided_slice %add3A_402 {offsets = [0, 768], sizes = [1024, 128], strides = [1, 1]} : vector<1024x2048xf32> to vector<1024x128xf32>
    %lt3A_437 = arith.cmpf olt, %slice3A_436, %min3A_432 : vector<1024x128xf32>
    %min3A_438 = arith.minimumf %min3A_432, %slice3A_436 : vector<1024x128xf32>
    %jit3A_439 = arith.constant 6.000000e+00 : f32
    %broadcast_in_dim3A_440 = vector.broadcast %jit3A_439 : f32 to vector<1024x128xf32>
    %select_n3A_441 = arith.select %lt3A_437, %broadcast_in_dim3A_440, %select_n3A_435 : vector<1024x128xi1>, vector<1024x128xf32>
    %slice3A_442 = vector.extract_strided_slice %add3A_402 {offsets = [0, 896], sizes = [1024, 128], strides = [1, 1]} : vector<1024x2048xf32> to vector<1024x128xf32>
    %lt3A_443 = arith.cmpf olt, %slice3A_442, %min3A_438 : vector<1024x128xf32>
    %min3A_444 = arith.minimumf %min3A_438, %slice3A_442 : vector<1024x128xf32>
    %jit3A_445 = arith.constant 7.000000e+00 : f32
    %broadcast_in_dim3A_446 = vector.broadcast %jit3A_445 : f32 to vector<1024x128xf32>
    %select_n3A_447 = arith.select %lt3A_443, %broadcast_in_dim3A_446, %select_n3A_441 : vector<1024x128xi1>, vector<1024x128xf32>
    %slice3A_448 = vector.extract_strided_slice %add3A_402 {offsets = [0, 1024], sizes = [1024, 128], strides = [1, 1]} : vector<1024x2048xf32> to vector<1024x128xf32>
    %lt3A_449 = arith.cmpf olt, %slice3A_448, %min3A_444 : vector<1024x128xf32>
    %min3A_450 = arith.minimumf %min3A_444, %slice3A_448 : vector<1024x128xf32>
    %jit3A_451 = arith.constant 8.000000e+00 : f32
    %broadcast_in_dim3A_452 = vector.broadcast %jit3A_451 : f32 to vector<1024x128xf32>
    %select_n3A_453 = arith.select %lt3A_449, %broadcast_in_dim3A_452, %select_n3A_447 : vector<1024x128xi1>, vector<1024x128xf32>
    %slice3A_454 = vector.extract_strided_slice %add3A_402 {offsets = [0, 1152], sizes = [1024, 128], strides = [1, 1]} : vector<1024x2048xf32> to vector<1024x128xf32>
    %lt3A_455 = arith.cmpf olt, %slice3A_454, %min3A_450 : vector<1024x128xf32>
    %min3A_456 = arith.minimumf %min3A_450, %slice3A_454 : vector<1024x128xf32>
    %jit3A_457 = arith.constant 9.000000e+00 : f32
    %broadcast_in_dim3A_458 = vector.broadcast %jit3A_457 : f32 to vector<1024x128xf32>
    %select_n3A_459 = arith.select %lt3A_455, %broadcast_in_dim3A_458, %select_n3A_453 : vector<1024x128xi1>, vector<1024x128xf32>
    %slice3A_460 = vector.extract_strided_slice %add3A_402 {offsets = [0, 1280], sizes = [1024, 128], strides = [1, 1]} : vector<1024x2048xf32> to vector<1024x128xf32>
    %lt3A_461 = arith.cmpf olt, %slice3A_460, %min3A_456 : vector<1024x128xf32>
    %min3A_462 = arith.minimumf %min3A_456, %slice3A_460 : vector<1024x128xf32>
    %jit3A_463 = arith.constant 1.000000e+01 : f32
    %broadcast_in_dim3A_464 = vector.broadcast %jit3A_463 : f32 to vector<1024x128xf32>
    %select_n3A_465 = arith.select %lt3A_461, %broadcast_in_dim3A_464, %select_n3A_459 : vector<1024x128xi1>, vector<1024x128xf32>
    %slice3A_466 = vector.extract_strided_slice %add3A_402 {offsets = [0, 1408], sizes = [1024, 128], strides = [1, 1]} : vector<1024x2048xf32> to vector<1024x128xf32>
    %lt3A_467 = arith.cmpf olt, %slice3A_466, %min3A_462 : vector<1024x128xf32>
    %min3A_468 = arith.minimumf %min3A_462, %slice3A_466 : vector<1024x128xf32>
    %jit3A_469 = arith.constant 1.100000e+01 : f32
    %broadcast_in_dim3A_470 = vector.broadcast %jit3A_469 : f32 to vector<1024x128xf32>
    %select_n3A_471 = arith.select %lt3A_467, %broadcast_in_dim3A_470, %select_n3A_465 : vector<1024x128xi1>, vector<1024x128xf32>
    %slice3A_472 = vector.extract_strided_slice %add3A_402 {offsets = [0, 1536], sizes = [1024, 128], strides = [1, 1]} : vector<1024x2048xf32> to vector<1024x128xf32>
    %lt3A_473 = arith.cmpf olt, %slice3A_472, %min3A_468 : vector<1024x128xf32>
    %min3A_474 = arith.minimumf %min3A_468, %slice3A_472 : vector<1024x128xf32>
    %jit3A_475 = arith.constant 1.200000e+01 : f32
    %broadcast_in_dim3A_476 = vector.broadcast %jit3A_475 : f32 to vector<1024x128xf32>
    %select_n3A_477 = arith.select %lt3A_473, %broadcast_in_dim3A_476, %select_n3A_471 : vector<1024x128xi1>, vector<1024x128xf32>
    %slice3A_478 = vector.extract_strided_slice %add3A_402 {offsets = [0, 1664], sizes = [1024, 128], strides = [1, 1]} : vector<1024x2048xf32> to vector<1024x128xf32>
    %lt3A_479 = arith.cmpf olt, %slice3A_478, %min3A_474 : vector<1024x128xf32>
    %min3A_480 = arith.minimumf %min3A_474, %slice3A_478 : vector<1024x128xf32>
    %jit3A_481 = arith.constant 1.300000e+01 : f32
    %broadcast_in_dim3A_482 = vector.broadcast %jit3A_481 : f32 to vector<1024x128xf32>
    %select_n3A_483 = arith.select %lt3A_479, %broadcast_in_dim3A_482, %select_n3A_477 : vector<1024x128xi1>, vector<1024x128xf32>
    %slice3A_484 = vector.extract_strided_slice %add3A_402 {offsets = [0, 1792], sizes = [1024, 128], strides = [1, 1]} : vector<1024x2048xf32> to vector<1024x128xf32>
    %lt3A_485 = arith.cmpf olt, %slice3A_484, %min3A_480 : vector<1024x128xf32>
    %min3A_486 = arith.minimumf %min3A_480, %slice3A_484 : vector<1024x128xf32>
    %jit3A_487 = arith.constant 1.400000e+01 : f32
    %broadcast_in_dim3A_488 = vector.broadcast %jit3A_487 : f32 to vector<1024x128xf32>
    %select_n3A_489 = arith.select %lt3A_485, %broadcast_in_dim3A_488, %select_n3A_483 : vector<1024x128xi1>, vector<1024x128xf32>
    %slice3A_490 = vector.extract_strided_slice %add3A_402 {offsets = [0, 1920], sizes = [1024, 128], strides = [1, 1]} : vector<1024x2048xf32> to vector<1024x128xf32>
    %lt3A_491 = arith.cmpf olt, %slice3A_490, %min3A_486 : vector<1024x128xf32>
    %min3A_492 = arith.minimumf %min3A_486, %slice3A_490 : vector<1024x128xf32>
    %jit3A_493 = arith.constant 1.500000e+01 : f32
    %broadcast_in_dim3A_494 = vector.broadcast %jit3A_493 : f32 to vector<1024x128xf32>
    %select_n3A_495 = arith.select %lt3A_491, %broadcast_in_dim3A_494, %select_n3A_489 : vector<1024x128xi1>, vector<1024x128xf32>
    %reduce_min3A_496 = arith.constant dense<0x7F800000> : vector<1024xf32>
    %reduce_min3A_497 = vector.multi_reduction <minimumf>, %min3A_492, %reduce_min3A_496 [1] : vector<1024x128xf32> to vector<1024xf32>
    %broadcast_in_dim3A_498 = vector.shape_cast %reduce_min3A_497 : vector<1024xf32> to vector<1024x1xf32>
    %mul3A_499 = arith.constant 1.280000e+02 : f32
    %mul3A_500 = vector.broadcast %mul3A_499 : f32 to vector<1024x128xf32>
    %mul3A_501 = arith.mulf %select_n3A_495, %mul3A_500 : vector<1024x128xf32>
    %add3A_502 = arith.addf %mul3A_501, %convert_element_type3A_9 : vector<1024x128xf32>
    %eq3A_503 = vector.broadcast %broadcast_in_dim3A_498 : vector<1024x1xf32> to vector<1024x128xf32>
    %eq3A_504 = arith.cmpf oeq, %min3A_492, %eq3A_503 : vector<1024x128xf32>
    %jit3A_505 = arith.constant 1.07374182E+9 : f32
    %broadcast_in_dim3A_506 = vector.broadcast %jit3A_505 : f32 to vector<1024x128xf32>
    %select_n3A_507 = arith.select %eq3A_504, %add3A_502, %broadcast_in_dim3A_506 : vector<1024x128xi1>, vector<1024x128xf32>
    %reduce_min3A_508 = arith.constant dense<0x7F800000> : vector<1024xf32>
    %reduce_min3A_509 = vector.multi_reduction <minimumf>, %select_n3A_507, %reduce_min3A_508 [1] : vector<1024x128xf32> to vector<1024xf32>
    %broadcast_in_dim3A_510 = vector.shape_cast %reduce_min3A_509 : vector<1024xf32> to vector<1024x1xf32>
    %convert_element_type3A_511 = arith.fptosi %broadcast_in_dim3A_510 : vector<1024x1xf32> to vector<1024x1xi32>
    %add3A_512 = arith.constant 6144 : i32
    %add3A_513 = vector.broadcast %add3A_512 : i32 to vector<1024x1xi32>
    %add3A_514 = arith.addi %convert_element_type3A_511, %add3A_513 : vector<1024x1xi32>
    %lt3A_515 = arith.cmpf olt, %broadcast_in_dim3A_498, %convert_element_type3A_388 : vector<1024x1xf32>
    %select_n3A_516 = arith.select %lt3A_515, %broadcast_in_dim3A_498, %select_n3A_389 : vector<1024x1xi1>, vector<1024x1xf32>
    %select_n3A_517 = arith.select %lt3A_515, %add3A_514, %select_n3A_390 : vector<1024x1xi1>, vector<1024x1xi32>
    %swap3A = arith.constant 0 : index
    %swap3A_518 = arith.constant 0 : index
    %swap3A_519 = vector.load %arg4[%swap3A, %swap3A_518] : memref<1024x1xi32, #tpu.memory_space<vmem>>, vector<1024x1xi32>
    tpu.vector_store %arg4[%swap3A, %swap3A_518], %select_n3A_517 {strides = array<i32>} : memref<1024x1xi32, #tpu.memory_space<vmem>>, vector<1024x1xi32>,
    %eq3A_520 = arith.constant 0 : i32
    %eq3A_521 = arith.cmpi eq, %arg0, %eq3A_520 : i32
    %convert_element_type3A_522 = arith.extui %eq3A_521 : i1 to i32
    %cond3A = arith.constant 0 : i32
    %cond3A_523 = arith.cmpi ne, %convert_element_type3A_522, %cond3A : i32
    scf.if %cond3A_523 {
      %swap3A_536 = arith.constant 0.000000e+00 : f32
      %swap3A_537 = arith.constant 0 : index
      %swap3A_538 = arith.constant 0 : index
      %swap3A_539 = memref.load %arg5[%swap3A_537, %swap3A_538] : memref<1x1xf32, #tpu.memory_space<smem>>
      memref.store %swap3A_536, %arg5[%swap3A_537, %swap3A_538] : memref<1x1xf32, #tpu.memory_space<smem>>
    } else {
    }
    %get3A_524 = arith.constant 0 : index
    %get3A_525 = arith.constant 0 : index
    %get3A_526 = memref.load %arg5[%get3A_524, %get3A_525] : memref<1x1xf32, #tpu.memory_space<smem>>
    %reduce_sum3A_527 = vector.shape_cast %select_n3A_516 : vector<1024x1xf32> to vector<1x1024x1xf32>
    %reduce_sum3A_528 = arith.constant dense<0.000000e+00> : vector<1xf32>
    %reduce_sum3A_529 = vector.multi_reduction <add>, %reduce_sum3A_527, %reduce_sum3A_528 [1, 2] : vector<1x1024x1xf32> to vector<1xf32>
    %reduce_sum3A_530 = vector.shape_cast %reduce_sum3A_529 : vector<1xf32> to vector<1x1x1xf32>
    %reduce_sum3A_531 = vector.extract %reduce_sum3A_530[0, 0, 0] : f32 from vector<1x1x1xf32>
    %add3A_532 = arith.addf %get3A_526, %reduce_sum3A_531 : f32
    %swap3A_533 = arith.constant 0 : index
    %swap3A_534 = arith.constant 0 : index
    %swap3A_535 = memref.load %arg5[%swap3A_533, %swap3A_534] : memref<1x1xf32, #tpu.memory_space<smem>>
    memref.store %add3A_532, %arg5[%swap3A_533, %swap3A_534] : memref<1x1xf32, #tpu.memory_space<smem>>
    return
  }
  func.func @transform_0(%arg0: i32) -> (i32, i32) {
    %c0_i32 = arith.constant 0 : i32
    %c0_i32_0 = arith.constant 0 : i32
    return %arg0, %c0_i32 : i32, i32
  }
  func.func @transform_1(%arg0: i32) -> (i32, i32) {
    %c0_i32 = arith.constant 0 : i32
    %c0_i32_0 = arith.constant 0 : i32
    %c0_i32_1 = arith.constant 0 : i32
    return %c0_i32, %c0_i32_0 : i32, i32
  }
  func.func @transform_2(%arg0: i32) -> (i32, i32) {
    %c0_i32 = arith.constant 0 : i32
    %c0_i32_0 = arith.constant 0 : i32
    %c0_i32_1 = arith.constant 0 : i32
    return %c0_i32, %c0_i32_0 : i32, i32
  }
  func.func @transform_3(%arg0: i32) -> (i32, i32) {
    %c0_i32 = arith.constant 0 : i32
    %c0_i32_0 = arith.constant 0 : i32
    return %arg0, %c0_i32 : i32, i32
  }
  func.func @transform_4(%arg0: i32) -> (i32, i32) {
    %c0_i32 = arith.constant 0 : i32
    %c0_i32_0 = arith.constant 0 : i32
    %c0_i32_1 = arith.constant 0 : i32
    return %c0_i32, %c0_i32_0 : i32, i32
  }
}

</mosaic_0001>

<sc_bundles>
// kernel: kernel.4.cloned.1.call-start
scs
__scs_entry_jumppad:
0x0: {  	(pc) =	sbr.rel $0x88, $3  }
0x1: {  	(tag) =	ssettag $0x0;
	lr =	simm.s32 $0x1  }
0x2: {  	[smem:$0x3F9F] =	sst lr;
	_ =	strace $0xD0000000  }
0x3: {  	_ = 	snop  }
0x4: {  	_ = 	snop  }
0x5: {  	_ = 	snop  }
0x6: {  	_ = 	snop  }
0x7: {  	_ = 	snop  }
__scs_overlays_trampoline_lowered:
0x8: {  	[smem:$0x3FAE] =	sst s0  }
0x9: {  	[smem:$0x3FAF] =	sst s1  }
0xa: {  	[smem:$0x3FB0] =	sst s2  }
0xb: {  	[smem:$0x3FB1] =	sst s3  }
0xc: {  	[smem:$0x3FB2] =	sst s4  }
0xd: {  	[smem:$0x3FB3] =	sst s5  }
0xe: {  	[smem:$0x3FB4] =	sst s6  }
0xf: {  	[smem:$0x3FB5] =	sst s7  }
0x10: {  	[smem:$0x3FB6] =	sst s8  }
0x11: {  	[smem:$0x3FB7] =	sst s9;
	s0 =	simm.s32 @!p0 $0x0  }
0x12: {  	s1 =	sld [smem:$0x3F9D];
	s0 =	simm.s32 @p0 $0x1  }
0x13: {  	[smem:$0x3FB8] =	sst s0;
	s0 =	simm.s32 @!p1 $0x0  }
0x14: {  	s2 =	sld [smem:$0x3F9C];
	s0 =	simm.s32 @p1 $0x1  }
0x15: {  	[smem:$0x3FB9] =	sst s0;
	s0 =	simm.s32 @!p2 $0x0  }
0x16: {  	s3 =	sld [smem:$0x3FDB];
	s0 =	simm.s32 @p2 $0x1  }
0x17: {  	s4 =	simm.s32 $0x1BF5;
	[smem:$0x3FBB] =	sst s0  }
0x18: {  	s0 =	sld [smem:$0x3F9E];
	_ =	swait.ge [sflag:s4], $0x0  }
0x19: {  	s7 =	sld [smem:$0x3F9F]  }
0x1a: {  	s8 =	sadd.s32 $0xFFFFE003, lr  }
0x1b: {  	s9 =	sadd.s32 $0xFFFFFEF7, lr;
	s5 =	simm.s32 $0xFFFFFFFF;
	p2 =	slt.u32 s8, $0xFFFFF086  }
0x1c: {  	p1 =	slt.u32 s9, $0xF7A;
	s5 =	simm.s32 @!p2 $0x0  }
0x1d: {  	s5 =	simm.s32 @p1 $0x1;
	p0 =	seq.s32 s7, s2  }
0x1e: {  	s7 =	smul.u32 @!p0 $0xF7A, s2;
	p2 =	seq.s32 @!p0 s5, $0x0  }
0x1f: {  	s9 =	smul.u32 $0xF7A, s1;
	s8 =	simm.s32 @!p0 $0x1BF5;
	p2 =	por !p2, p0  }
0x20: {  	[sflag:s8] =	ssyncset.s32 @!p0 $0xFFFFF086;
	s6 =	sadd.s32 @!p0 s3, s7;
	s7 =	simm.s32 @!p0 $0x108  }
0x21: {  	s3 =	sadd.s32 s3, s9;
	s6 =	sadd.s32 @!p0 $0x88, s6;
	s7 =	simm.s32 @p2 $0x1082  }
0x22: {  	[simem:s7], [sflag:s8] =	dma.local @!p0 [hbm:s6], $0xF7A  }
0x23: {  	s9 =	sor.u32 $0xD0000000, s2;
	s6 =	simm.s32 $0x108;
	_ =	swait.ge @!p0 [sflag:s8], $0x0  }
0x24: {  	s3 =	sadd.s32 $0x88, s3;
	s6 =	simm.s32 @!p1 $0x1082;
	[sflag:s4] =	ssyncset.s32 $0xFFFFF086  }
0x25: {  	[simem:s6], [sflag:s4] =	dma.local [hbm:s3], $0xF7A  }
0x26: {  	[smem:$0x3F9F] =	sst s1;
	(tag) =	ssettag s2;
	_ =	strace s9  }
0x27: {  	s1 =	sld [smem:$0x3FAF]  }
0x28: {  	s2 =	sld [smem:$0x3FB0]  }
0x29: {  	s4 =	sld [smem:$0x3FB2]  }
0x2a: {  	p0 =	seq.s32 s5, $0x0;
	s5 =	sld [smem:$0x3FB3]  }
0x2b: {  	s6 =	sld [smem:$0x3FB4]  }
0x2c: {  	s7 =	sld [smem:$0x3FB5]  }
0x2d: {  	s3 =	simm.s32 $0x108;
	s8 =	sld [smem:$0x3FB6]  }
0x2e: {  	s3 =	simm.s32 @!p0 $0x1082;
	s9 =	sld [smem:$0x3FB7]  }
0x2f: {  	lr =	sadd.s32 s0, s3;
	s0 =	sld [smem:$0x3FAE]  }
0x30: {  	s3 =	sld [smem:$0x3FB1]  }
0x31: {  	[smem:$0x3FBA] =	sst s10  }
0x32: {  	s10 =	sld [smem:$0x3FB8];
	_ =	sdelay $0x3  }
0x33: {  	p0 =	seq.s32 s10, $0x1;
	s10 =	sld [smem:$0x3FBA];
	_ =	sdelay $0x3  }
0x34: {  	[smem:$0x3FBA] =	sst s10  }
0x35: {  	s10 =	sld [smem:$0x3FB9];
	_ =	sdelay $0x3  }
0x36: {  	p1 =	seq.s32 s10, $0x1;
	s10 =	sld [smem:$0x3FBA];
	_ =	sdelay $0x3  }
0x37: {  	[smem:$0x3FBA] =	sst s10  }
0x38: {  	s10 =	sld [smem:$0x3FBB]  }
0x39: {  	_ = 	snop;
	(pc) =	sbr.ind lr, $3  }
0x3a: {  	_ = 	snop  }
0x3b: {  	_ = 	snop  }
0x3c: {  	p2 =	seq.s32 s10, $0x1;
	s10 =	sld [smem:$0x3FBA]  }
0x3d: {  	_ =	shalt  }
0x3e: {  	_ =	shalt  }
0x3f: {  	_ =	shalt  }
0x40: {  	_ =	shalt  }
0x41: {  	_ =	shalt  }
0x42: {  	_ =	shalt  }
0x43: {  	_ =	shalt  }
0x44: {  	_ =	shalt  }
0x45: {  	_ =	shalt  }
0x46: {  	_ =	shalt  }
0x47: {  	_ =	shalt  }
0x48: {  	_ =	shalt  }
0x49: {  	_ =	shalt  }
0x4a: {  	_ =	shalt  }
0x4b: {  	_ =	shalt  }
0x4c: {  	_ =	shalt  }
0x4d: {  	_ =	shalt  }
0x4e: {  	_ =	shalt  }
0x4f: {  	_ =	shalt  }
0x50: {  	_ =	shalt  }
0x51: {  	_ =	shalt  }
0x52: {  	_ =	shalt  }
0x53: {  	_ =	shalt  }
0x54: {  	_ =	shalt  }
0x55: {  	_ =	shalt  }
0x56: {  	_ =	shalt  }
0x57: {  	_ =	shalt  }
0x58: {  	_ =	shalt  }
0x59: {  	_ =	shalt  }
0x5a: {  	_ =	shalt  }
0x5b: {  	_ =	shalt  }
0x5c: {  	_ =	shalt  }
0x5d: {  	_ =	shalt  }
0x5e: {  	_ =	shalt  }
0x5f: {  	_ =	shalt  }
0x60: {  	_ =	shalt  }
0x61: {  	_ =	shalt  }
0x62: {  	_ =	shalt  }
0x63: {  	_ =	shalt  }
0x64: {  	_ =	shalt  }
0x65: {  	_ =	shalt  }
0x66: {  	_ =	shalt  }
0x67: {  	_ =	shalt  }
0x68: {  	_ =	shalt  }
0x69: {  	_ =	shalt  }
0x6a: {  	_ =	shalt  }
0x6b: {  	_ =	shalt  }
0x6c: {  	_ =	shalt  }
0x6d: {  	_ =	shalt  }
0x6e: {  	_ =	shalt  }
0x6f: {  	_ =	shalt  }
0x70: {  	_ =	shalt  }
0x71: {  	_ =	shalt  }
0x72: {  	_ =	shalt  }
0x73: {  	_ =	shalt  }
0x74: {  	_ =	shalt  }
0x75: {  	_ =	shalt  }
0x76: {  	_ =	shalt  }
0x77: {  	_ =	shalt  }
0x78: {  	_ =	shalt  }
0x79: {  	_ =	shalt  }
0x7a: {  	_ =	shalt  }
0x7b: {  	_ =	shalt  }
0x7c: {  	_ =	shalt  }
0x7d: {  	_ =	shalt  }
0x7e: {  	_ =	shalt  }
0x7f: {  	_ =	shalt  }
0x80: {  	_ =	shalt  }
0x81: {  	_ =	shalt  }
0x82: {  	_ =	shalt  }
0x83: {  	_ =	shalt  }
0x84: {  	_ =	shalt  }
0x85: {  	_ =	shalt  }
0x86: {  	_ =	shalt  }
0x87: {  	_ =	shalt  }
.Lfunc_end0:
.L_simem_size_0:
called_computation_lowered:
.L_overlay_start_0:
0x88: {  	s2 =	sld [smem:$0x3FD9]  }
0x89: {  	s3 =	sld [smem:$0x3FFE];
	_ =	sdelay $0x1  }
0x8a: {  	s1 =	srdreg.scid  }
0x8b: {  	s0 =	sand.u32 $0x1, s1  }
0x8c: {  	s14 =	sshll.u32 s0, $0xA;
	s2 =	sadd.s32 s3, s2  }
0x8d: {  	s2 =	sadd.s32 s2, s14  }
0x8e: {  	[smem:$0x3FC6] =	sst s2  }
0x8f: {  	_ = 	snop  }
0x90: {  	s2 =	sld [smem:$0x3FD0];
	_ =	sdelay $0x2  }
0x91: {  	s15 =	simm.s32 $0xA;
	s4 =	simm.s32 $0x10  }
0x92: {  	[smem:s4], [sflag:s15] =	dma.local [hbm:s2], $0x1  }
0x93: {  	_ =	swait.eq [sflag:s15], $0x1  }
0x94: {  	[sflag:s15] =	ssyncset.done $0x0  }
0x95: {  	s16 =	sld [smem:$0x10];
	[sflag:s15] =	ssyncadd.s32 $0xFFFFFFFF  }
0x96: {  	s17 =	sld [smem:$0x11];
	(tm) =	ssettm $0x1  }
0x97: {  	s18 =	sld [smem:$0x3FFB];
	_ =	sdelay $0x3  }
0x98: {  	_ =	strace s18  }
0x99: {  	s4 =	sld [smem:$0x3FFC];
	_ =	sdelay $0x3  }
0x9a: {  	_ =	strace s4  }
0x9b: {  	s4 =	sld [smem:$0x3FFD];
	_ =	sdelay $0x3  }
0x9c: {  	_ =	strace s4  }
0x9d: {  	_ =	strace $0x8FFFFFFF  }
0x9e: {  	s19 =	sld [smem:$0x3FDB];
	_ =	sdelay $0x1  }
0x9f: {  	s5 =	simm.s32 $_scs_section_size  }
0xa0: {  	s6 =	simm.s32 $_size__tile_overlayer_lowered;
	s7 =	simm.s32 $_tile_overlayer_lowered  }
0xa1: {  	s22 =	simm.s32 $0x1BFF;
	s21 =	sshll.u32 s7, $0x1;
	s4 =	sadd.s32 s5, s19  }
0xa2: {  	s8 =	simm.s32 $0x0;
	s20 =	sshll.u32 s6, $0x1;
	s6 =	sadd.s32 s21, s4  }
0xa3: {  	[timem:s8], [sflag:s22] =	dma.local [hbm:s6], s20  }
0xa4: {  	_ =	swait.ge [sflag:s22], s20  }
0xa5: {  	s5 =	ssub.s32 $0x0, s20;
	[sflag:s22] =	ssyncset.done $0x0  }
0xa6: {  	[sflag:s22] =	ssyncadd.s32 s5;
	_ =	sdelay $0x1  }
0xa7: {  	s23 =	simm.s32 $0x1B8B  }
0xa8: {  	_ =	swait.ge [sflag:s23], $0x1  }
0xa9: {  	[sflag:s23] =	ssyncset.done $0x0  }
0xaa: {  	s25 =	simm.s32 $0x1B8E;
	s24 =	sld [smem:$0x3FFE];
	[sflag:s23] =	ssyncadd.s32 $0xFFFFFFFF  }
0xab: {  	s26 =	simm.s32 $execute0_lowered;
	[smem:$0x3FD2] =	sst s25  }
0xac: {  	s6 =	sshll.u32 s26, $0x1;
	_ =	strace $0x80000046;
	[dreg:$0x1] =	wrdreg $0xFFFFFFFF  }
0xad: {  	s28 =	simm.s32 $_size_execute0_lowered;
	s4 =	sadd.s32 s4, s6;
	[dreg:$0x0] =	wrdreg $0x0  }
0xae: {  	s6 =	sshll.u32 s28, $0x1;
	[dreg:$0x2] =	wrdreg s4  }
0xaf: {  	[dreg:$0x3] =	wrdreg s6  }
0xb0: {  	[dreg:$0x4] =	wrdreg $0xC0  }
0xb1: {  	_ =	task [dreg:s8], $0x5FFFF  }
0xb2: {  	[dreg:$0x1] =	wrdreg $0xFFFFFFFF  }
0xb3: {  	[dreg:$0x0] =	wrdreg $0x60  }
0xb4: {  	[dreg:$0x2] =	wrdreg s16  }
0xb5: {  	[dreg:$0x3] =	wrdreg s17  }
0xb6: {  	[dreg:$0x4] =	wrdreg s24  }
0xb7: {  	[dreg:$0x5] =	wrdreg $0x9  }
0xb8: {  	_ =	task.clear_ibuf [dreg:s8], $0x6FFFF;
	_ =	strace $0x90000046  }
0xb9: {  	s29 =	simm.s32 $0x9;
	_ =	strace $0x80000048  }
0xba: {  	_ =	swait.ge [sflag:s29], $0x1  }
0xbb: {  	[sflag:s29] =	ssyncadd.s32 $0xFFFFFFFF  }
0xbc: {  	_ =	strace $0x90000048  }
0xbd: {  	_ =	sfence  }
0xbe: {  	s30 =	sld [smem:$0x0];
	_ =	sdelay $0x2  }
0xbf: {  	s31 =	sshll.u32 s1, $0xD;
	s1 =	sshrl.u32 s1, $0x2  }
0xc0: {  	s3 =	sand.u32 $0x4000, s31;
	s1 =	sadd.s32 s1, s30  }
0xc1: {  	s0 =	sor.u32 s3, s0;
	s1 =	sshll.u32 s1, $0x11  }
0xc2: {  	s0 =	sor.u32 s1, s0  }
0xc3: {  	s0 =	sadd.s32 $0x8F2B, s0  }
0xc4: {  	[sflag:s0] =	ssyncadd.remote.s32 $0x1  }
0xc5: {  	_ =	sfence.sel $0xFFFF  }
0xc6: {  	[dreg:$0x0] =	wrdreg $0xFFFFFFFF;
	(pc) =	sbr.abs _section_cstart, $3  }
0xc7: {  	[dreg:$0x1] =	wrdreg $0xFFFFFFFF  }
0xc8: {  	_ =	task.clear_ibuf [dreg:s8], $0x2FFFF;
	_ =	strace $0x9FFFFFFF  }
0xc9: {  	(tm) =	ssettm $0x7FFFFFFF  }
tec
execute0_lowered:
.L_overlay_start_1:
0x0: {  	(tag) =	ssettag $0x1  }
0x1: {  	s1 =	rddreg [dreg:$0x0];
	s2 =	srdreg.scid  }
0x2: {  	s4 =	rddreg [dreg:$0x1];
	s0 =	stileid.u32;
	s10 =	sand.u32 $0x1, s2  }
0x3: {  	s11 =	rddreg [dreg:$0x2];
	s5 =	sshll.u32 s0, $0x9;
	s6 =	sshll.u32 s10, $0x8  }
0x4: {  	s3 =	simm.s32 $0x0;
	s2 =	rddreg [dreg:$0x3];
	s12 =	sor.u32 s6, s5  }
0x5: {  	[smem:$0x7FF] =	sst s3;
	s5 =	sshrl.u32 s12, $0x3  }
0x6: {  	_ =	strace $0x80000047;
	s5 =	sadd.s32 s4, s5;
	s4 =	simm.s32 $0x2  }
0x7: {  	[tilespmem:s3], [sflag:$0x2] =	stream.linear.gather [hbm4b:s5+s3], $0x100, $0x38;
	[tilespmem:$0x2100] =	vst v63  }
0x8: {  	_ =	swait.ge [sflag:s4], $0x100  }
0x9: {  	[sflag:s4] =	ssyncset.done $0x0  }
0xa: {  	s7 =	simm.s32 $0x100;
	s6 =	simm.s32 $0x80;
	[sflag:s4] =	ssyncadd.s32 $0xFFFFFF00  }
0xb: {  	[tilespmem:s7], [sflag:$0x1] =	stream.indirect.gather [hbm4b:s1+s6], $0x20, s3, s6, $0xb8;
	[tilespmem:$0x2100] =	vst v63  }
0xc: {  	s8 =	simm.s32 $0x1100;
	s9 =	simm.s32 $0x1;
	s10 =	ssub.s32 $0x2, s10  }
0xd: {  	[tilespmem:s8], [sflag:$0x1] =	stream.indirect.gather [hbm4b:s1+s6], $0x20, s6, s6, $0xb8;
	[tilespmem:$0x2100] =	vst v63  }
0xe: {  	s13 =	sshrl.u32 s10, $0x1;
	_ =	swait.ge [sflag:s9], $0x1000  }
0xf: {  	s13 =	ssub.s32 s10, s13;
	[sflag:s9] =	ssyncset.done $0x0  }
0x10: {  	s31 =	smax.u32 s13, $0x1;
	[sflag:s9] =	ssyncadd.s32 $0xFFFFF000  }
0x11: {  	p0 =	sne.s32 s31, $0x1;
	_ =	swait.ge [sflag:s9], $0x1000  }
.Ltmp0:
0x12: {  	s30 =	sshll.u32 s12, $0x2;
	[sflag:s9] =	ssyncset.done $0x0;
	(pc) =	sbr.rel @!p0 .LBB2_2-.Ltmp0, $4  }
0x13: {  	s10 =	sadd.s32 s11, s30;
	[sflag:s9] =	ssyncadd.s32 $0xFFFFF000  }
0x14: {  	[hbm4b:s10+s3] =	stream.linear.scatter [tilespmem:s7], [sflag:$0x2], $0x2000, $0x38;
	[tilespmem:$0x2100] =	vst v63  }
0x15: {  	_ =	swait.ge [sflag:s4], $0x2000  }
0x16: {  	s11 =	sadd.s32 $0xFFFFFFFF, s31;
	[sflag:s4] =	ssyncset.done $0x0  }
.LBB2_1:
0x17: {  	p0 =	sne.s32 s11, $0x1;
	s11 =	sadd.s32 $0xFFFFFFFF, s11;
	[sflag:s4] =	ssyncadd.s32 $0xFFFFE000  }
0x18: {  	[tilespmem:s3], [sflag:$0x2] =	stream.linear.gather [hbm4b:s5+s3], $0x100, $0x38;
	[tilespmem:$0x2100] =	vst v63  }
0x19: {  	_ =	swait.ge [sflag:s4], $0x100  }
0x1a: {  	[sflag:s4] =	ssyncset.done $0x0  }
0x1b: {  	[sflag:s4] =	ssyncadd.s32 $0xFFFFFF00  }
0x1c: {  	[tilespmem:s7], [sflag:$0x1] =	stream.indirect.gather [hbm4b:s1+s6], $0x20, s3, s6, $0xb8;
	[tilespmem:$0x2100] =	vst v63  }
0x1d: {  	_ = 	snop  }
0x1e: {  	[tilespmem:s8], [sflag:$0x1] =	stream.indirect.gather [hbm4b:s1+s6], $0x20, s6, s6, $0xb8;
	[tilespmem:$0x2100] =	vst v63  }
0x1f: {  	_ =	swait.ge [sflag:s9], $0x1000  }
0x20: {  	[sflag:s9] =	ssyncset.done $0x0  }
0x21: {  	[sflag:s9] =	ssyncadd.s32 $0xFFFFF000  }
0x22: {  	_ =	swait.ge [sflag:s9], $0x1000  }
.Ltmp1:
0x23: {  	[sflag:s9] =	ssyncset.done $0x0;
	(pc) =	sbr.rel @p0 .LBB2_1-.Ltmp1, $4  }
0x24: {  	[sflag:s9] =	ssyncadd.s32 $0xFFFFF000  }
0x25: {  	[hbm4b:s10+s3] =	stream.linear.scatter [tilespmem:s7], [sflag:$0x2], $0x2000, $0x38;
	[tilespmem:$0x2100] =	vst v63  }
0x26: {  	_ =	swait.ge [sflag:s4], $0x2000  }
0x27: {  	[sflag:s4] =	ssyncset.done $0x0  }
.LBB2_2:
0x28: {  	[sflag:s4] =	ssyncadd.s32 $0xFFFFE000  }
0x29: {  	_ =	sfence.sel $0x180000  }
0x2a: {  	[bflag:$0x0] =	sbarrier.arrive $0xFFFF  }
0x2b: {  	p0 =	sne.s32 s0, $0x0;
	_ =	strace $0x90000047  }
0x2c: {  	s0 =	sadd.s32 @!p0 $0x100000, s2;
	[bflag:$0x2] =	sbarrier.arrive $0xFFFF  }
0x2d: {  	[sflag:s0] =	ssyncadd.tile.s32 @!p0 $0x1;
	_ =	shalt  }
.Lfunc_end2:
_tile_overlayer_lowered:
.L_overlay_start_2:
0x2e: {  	(tag) =	ssettag $0x2  }
0x2f: {  	s0 =	rddreg [dreg:$0x0];
	s2 =	stileid.u32  }
0x30: {  	s1 =	rddreg [dreg:$0x1];
	p0 =	sne.s32 s2, $0x0  }
0x31: {  	s3 =	rddreg [dreg:$0x2];
	[bflag:$0x3] =	sbarrier.arrive $0xFFFF;
	s2 =	simm.s32 @!p0 $0x1C02  }
0x32: {  	[timem:s3], [sflag:s2] =	dma.local @!p0 [hbm:s0], s1  }
0x33: {  	s0 =	simm.s32 @!p0 $0x2  }
0x34: {  	_ =	swait.ge @!p0 [sflag:s0], s1  }
0x35: {  	s1 =	ssub.s32 @!p0 $0x0, s1;
	[sflag:s0] =	ssyncset.done @!p0 $0x0  }
0x36: {  	[sflag:s0] =	ssyncadd.s32 @!p0 s1  }
0x37: {  	[bflag:$0x3] =	sbarrier.arrive $0xFFFF  }
0x38: {  	_ =	shalt  }

</sc_bundles>
